<compile_context>
chip_gen: v7x
topology: tpu7x:2x2x1
jax: 0.10.2.dev20260603
libtpu: 0.0.44.dev20260713+nightly
codegen_flags: <defaults>
</compile_context>

<pallas_src>
import functools

import jax
import jax.numpy as jnp
from jax import lax
from jax.experimental import pallas as pl
from jax.experimental.pallas import tpu as pltpu
from jax.experimental.pallas import tpu_sc as plsc

F = 26
VOCAB = 100000
D = 16
B = 4096
H1 = 32
H2 = 32

NC, NS = 2, 16
NW = NC * NS
ROWS = B * F
RPW = ROWS // NW
CH = 128
NCH = RPW // CH

_sc_mesh = plsc.VectorSubcoreMesh(core_axis_name="c", subcore_axis_name="s",
                                  num_cores=NC, num_subcores=NS)


NCHE = RPW * D // CH


@functools.partial(
    pl.kernel,
    out_type=(
        jax.ShapeDtypeStruct((ROWS * D,), jnp.float32),
        jax.ShapeDtypeStruct((ROWS,), jnp.float32),
    ),
    mesh=_sc_mesh,
    scratch_types=[
        pltpu.VMEM((NCHE, CH), jnp.int32),
        pltpu.VMEM((NCH, CH), jnp.int32),
        pltpu.VMEM((RPW * D,), jnp.float32),
        pltpu.VMEM((RPW,), jnp.float32),
        pltpu.SemaphoreType.DMA,
        pltpu.SemaphoreType.DMA,
    ],
    compiler_params=pltpu.CompilerParams(use_tc_tiling_on_sc=False),
)
def _sc_gather(w2_hbm, w1_hbm, eidx_hbm, idx_hbm, e2_out, fm1_out,
               eidx_v, idx_v, rows_v, fm1_v, sem2, sem1):
    wid = lax.axis_index("s") * NC + lax.axis_index("c")
    base = wid * RPW
    pltpu.sync_copy(eidx_hbm.at[wid], eidx_v)
    pltpu.sync_copy(idx_hbm.at[wid], idx_v)

    def fire(c, _):
        pltpu.async_copy(w2_hbm.at[eidx_v.at[c]],
                         rows_v.at[pl.ds(c * CH, CH)], sem2)
        return ()

    lax.fori_loop(0, NCHE, fire, ())
    cps = []
    for j in range(NCH):
        cps.append(pltpu.async_copy(
            w1_hbm.at[idx_v.at[j]], fm1_v.at[pl.ds(j * CH, CH)], sem1))

    def drain(c, _):
        pltpu.make_async_copy(w2_hbm.at[eidx_v.at[0]],
                              rows_v.at[pl.ds(0, CH)], sem2).wait()
        return ()

    lax.fori_loop(0, NCHE, drain, ())
    for cp in cps:
        cp.wait()
    pltpu.sync_copy(rows_v, e2_out.at[pl.ds(base * D, RPW * D)])
    pltpu.sync_copy(fm1_v, fm1_out.at[pl.ds(base, RPW)])


BB = 1024


def _tc_body(e2_ref, fm1_ref, xv_ref, wl1_ref, bl1_ref, wl2_ref, bl2_ref,
             bias_ref, out_ref):
    E = e2_ref[...]
    V = xv_ref[...]
    hp = jax.lax.Precision.HIGHEST
    R = (lax.broadcasted_iota(jnp.int32, (F, F * D), 1) // D
         == lax.broadcasted_iota(jnp.int32, (F, F * D), 0)).astype(jnp.float32)
    Es = E * jax.lax.dot(V, R, precision=hp)
    S = (lax.broadcasted_iota(jnp.int32, (F * D, D), 0) % D
         == lax.broadcasted_iota(jnp.int32, (F * D, D), 1)).astype(jnp.float32)
    sum_emb = jax.lax.dot(Es, S, precision=hp)
    sum_sq = jax.lax.dot(Es * Es, S, precision=hp)
    fm2 = 0.5 * (sum_emb * sum_emb - sum_sq)
    h = jnp.maximum(jax.lax.dot(Es, wl1_ref[...], precision=hp)
                    + bl1_ref[...], 0.0)
    h = jnp.maximum(jax.lax.dot(h, wl2_ref[...], precision=hp)
                    + bl2_ref[...], 0.0)
    total = (jnp.sum(fm1_ref[...] * V, axis=1, keepdims=True)
             + jnp.sum(fm2, axis=1, keepdims=True)
             + jnp.sum(h, axis=1, keepdims=True)
             + bias_ref[...])
    out_ref[...] = total


_tc_dense = pl.pallas_call(
    _tc_body,
    grid=(B // BB,),
    in_specs=[
        pl.BlockSpec((BB, F * D), lambda i: (i, 0)),
        pl.BlockSpec((BB, F), lambda i: (i, 0)),
        pl.BlockSpec((BB, F), lambda i: (i, 0)),
        pl.BlockSpec((F * D, H1), lambda i: (0, 0)),
        pl.BlockSpec((1, H1), lambda i: (0, 0)),
        pl.BlockSpec((H1, H2), lambda i: (0, 0)),
        pl.BlockSpec((1, H2), lambda i: (0, 0)),
        pl.BlockSpec((1, 1), lambda i: (0, 0)),
    ],
    out_specs=pl.BlockSpec((BB, 1), lambda i: (i, 0)),
    out_shape=jax.ShapeDtypeStruct((B, 1), jnp.float32),
)


def kernel(Xi, Xv, W1, W2, Wl1, bl1, Wl2, bl2, bias):
    Xi_s = Xi[:, :, 0].astype(jnp.int32)
    flat_idx = (Xi_s + jnp.arange(F, dtype=jnp.int32)[None, :] * VOCAB)
    idx3d = flat_idx.reshape(NW, NCH, CH)
    eidx = (Xi_s[:, :, None]
            + (jnp.arange(F * D, dtype=jnp.int32) * VOCAB).reshape(F, D)[None])
    eidx3d = eidx.reshape(NW, NCHE, CH)
    w2_flat = W2.transpose(0, 2, 1).reshape(F * VOCAB * D)
    w1_flat = W1.transpose(0, 2, 1).reshape(F * VOCAB)
    e2_elems, fm1_flat = _sc_gather(w2_flat, w1_flat, eidx3d, idx3d)
    out = _tc_dense(e2_elems.reshape(B, F * D), fm1_flat.reshape(B, F), Xv,
                    Wl1, bl1.reshape(1, H1), Wl2, bl2.reshape(1, H2),
                    bias.reshape(1, 1))
    return out.reshape(B)

# --- scband reference (transcript-rebuilt; emitter-appended) ---
"""Pipeline reference for scband-deep-fm-67954972557815 (READ-ONLY COPY).

The authoritative reference and input builder live on the scoring server;
editing this copy changes nothing except your own understanding.
"""

import jax, jax.numpy as jnp
import numpy as np

F_FIELDS = 26
VOCAB = 100000
D = 16
B = 4096
H1 = 32
H2 = 32


def setup_inputs(seed: int = 0) -> dict:
    key = jax.random.key(seed)
    ks = jax.random.split(key, 8)
    Xi = jax.random.randint(ks[0], (B, F_FIELDS, 1), 0, VOCAB)
    Xv = jnp.ones((B, F_FIELDS), dtype=jnp.float32)
    # fm first-order embeddings: 26 tables of [VOCAB, 1], stacked
    W1 = jax.random.normal(ks[1], (F_FIELDS, VOCAB, 1), dtype=jnp.float32) * 0.01
    # fm second-order embeddings: 26 tables of [VOCAB, D], stacked
    W2 = jax.random.normal(ks[2], (F_FIELDS, VOCAB, D), dtype=jnp.float32) * 0.01
    Wl1 = jax.random.normal(ks[3], (F_FIELDS * D, H1), dtype=jnp.float32) * (1.0 / np.sqrt(F_FIELDS * D))
    bl1 = jnp.zeros((H1,), dtype=jnp.float32)
    Wl2 = jax.random.normal(ks[4], (H1, H2), dtype=jnp.float32) * (1.0 / np.sqrt(H1))
    bl2 = jnp.zeros((H2,), dtype=jnp.float32)
    bias = jax.random.normal(ks[5], (1,), dtype=jnp.float32)
    return {"Xi": Xi, "Xv": Xv, "W1": W1, "W2": W2, "Wl1": Wl1, "bl1": bl1, "Wl2": Wl2, "bl2": bl2, "bias": bias}


def reference(Xi, Xv, W1, W2, Wl1, bl1, Wl2, bl2, bias):
    # Xi: [B, F, 1] int indices; Xv: [B, F] float values (typically 1.0)
    Xi_s = Xi[:, :, 0]  # [B, F]
    f_idx = jnp.arange(F_FIELDS)[None, :]  # [1, F]
    # first-order: per-field embedding lookup -> [B, F, 1] -> scaled by Xv -> [B, F]
    fm_first_order = W1[f_idx, Xi_s][..., 0] * Xv
    # second-order: per-field lookup -> [B, F, D], scaled by Xv
    e2 = W2[f_idx, Xi_s] * Xv[:, :, None]
    sum_emb = jnp.sum(e2, axis=1)                      # [B, D]
    square_of_sum = sum_emb * sum_emb                  # [B, D]
    sum_of_square = jnp.sum(e2 * e2, axis=1)           # [B, D]
    fm_second_order = 0.5 * (square_of_sum - sum_of_square)
    # deep part (dropout disabled)
    deep_emb = e2.reshape(e2.shape[0], F_FIELDS * D)   # [B, F*D]
    x_deep = jax.nn.relu(deep_emb @ Wl1 + bl1)
    x_deep = jax.nn.relu(x_deep @ Wl2 + bl2)
    total_sum = jnp.sum(fm_first_order, axis=1) + jnp.sum(fm_second_order, axis=1) + jnp.sum(x_deep, axis=1) + bias[0]
    return total_sum

if __name__ == "__main__":
    import jax
    _d = setup_inputs()
    print(jax.jit(kernel)(*tuple(_d.values())))

</pallas_src>

<mosaic_0001>
#map = affine_map<(d0, d1) -> (0)>
#map1 = affine_map<(d0, d1) -> (0, 0, 0)>
module attributes {stable_mosaic.version = 14 : i64} {
  func.func @_sc_gather(%arg0: i32, %arg1: i32, %arg2: memref<41600000xf32, #tpu.memory_space<hbm>>, %arg3: memref<2600000xf32, #tpu.memory_space<hbm>>, %arg4: memref<32x416x128xi32, #tpu.memory_space<hbm>>, %arg5: memref<32x26x128xi32, #tpu.memory_space<hbm>>, %arg6: memref<1703936xf32, #tpu.memory_space<hbm>>, %arg7: memref<106496xf32, #tpu.memory_space<hbm>>, %arg8: memref<416x128xi32, #tpu.memory_space<vmem>>, %arg9: memref<26x128xi32, #tpu.memory_space<vmem>>, %arg10: memref<53248xf32, #tpu.memory_space<vmem>>, %arg11: memref<3328xf32, #tpu.memory_space<vmem>>, %arg12: memref<!tpu.dma_semaphore, #tpu.memory_space<semaphore_mem>>, %arg13: memref<!tpu.dma_semaphore, #tpu.memory_space<semaphore_mem>>) attributes {dimension_semantics = [#tpu.dimension_semantics<core_parallel>, #tpu.dimension_semantics<subcore_parallel>], iteration_bounds = array<i64: 2, 16>, scalar_prefetch = 0 : i64, scratch_operands = 6 : i64, tpu.core_type = #tpu.core_type<sc_vector_subcore>, window_params = [{transform_indices = #map}, {transform_indices = #map}, {transform_indices = #map1}, {transform_indices = #map1}, {transform_indices = #map}, {transform_indices = #map}]} {
    %mul3A = arith.constant 2 : i32
    %mul3A_0 = arith.muli %arg1, %mul3A : i32
    %add3A = arith.addi %mul3A_0, %arg0 : i32
    %mul3A_1 = arith.constant 3328 : i32
    %mul3A_2 = arith.muli %add3A, %mul3A_1 : i32
    "tpu.region"() ({
      %run_scoped3A = tpu.sem_alloc : memref<!tpu.dma_semaphore, #tpu.memory_space<semaphore_mem>>
      %dma_start3A_428 = arith.constant 0 : i32
      %dma_start3A_429 = arith.constant 0 : i32
      %dma_start3A_430 = tpu.memref_slice %arg4[%add3A, %dma_start3A_428, %dma_start3A_429] : memref<32x416x128xi32, #tpu.memory_space<hbm>> -> memref<1x416x128xi32, #tpu.memory_space<hbm>>
      %dma_start3A_431 = tpu.memref_squeeze %dma_start3A_430 : memref<1x416x128xi32, #tpu.memory_space<hbm>> -> memref<416x128xi32, #tpu.memory_space<hbm>>
      %dma_start3A_432 = arith.constant 0 : i32
      %dma_start3A_433 = arith.constant 0 : i32
      %dma_start3A_434 = tpu.memref_slice %arg4[%add3A, %dma_start3A_432, %dma_start3A_433] : memref<32x416x128xi32, #tpu.memory_space<hbm>> -> memref<1x416x128xi32, #tpu.memory_space<hbm>>
      %dma_start3A_435 = tpu.memref_squeeze %dma_start3A_434 : memref<1x416x128xi32, #tpu.memory_space<hbm>> -> memref<416x128xi32, #tpu.memory_space<hbm>>
      tpu.enqueue_dma source(%dma_start3A_435 : memref<416x128xi32, #tpu.memory_space<hbm>>) target(%arg8 : memref<416x128xi32, #tpu.memory_space<vmem>>) target_semaphore(%run_scoped3A : memref<!tpu.dma_semaphore, #tpu.memory_space<semaphore_mem>>)
      %dma_wait3A_436 = arith.constant 0 : i32
      %dma_wait3A_437 = arith.constant 0 : i32
      %dma_wait3A_438 = tpu.memref_slice %arg4[%add3A, %dma_wait3A_436, %dma_wait3A_437] : memref<32x416x128xi32, #tpu.memory_space<hbm>> -> memref<1x416x128xi32, #tpu.memory_space<hbm>>
      %dma_wait3A_439 = tpu.memref_squeeze %dma_wait3A_438 : memref<1x416x128xi32, #tpu.memory_space<hbm>> -> memref<416x128xi32, #tpu.memory_space<hbm>>
      %dma_wait3A_440 = arith.constant 0 : i32
      %dma_wait3A_441 = arith.constant 0 : i32
      %dma_wait3A_442 = tpu.memref_slice %arg4[%add3A, %dma_wait3A_440, %dma_wait3A_441] : memref<32x416x128xi32, #tpu.memory_space<hbm>> -> memref<1x416x128xi32, #tpu.memory_space<hbm>>
      %dma_wait3A_443 = tpu.memref_squeeze %dma_wait3A_442 : memref<1x416x128xi32, #tpu.memory_space<hbm>> -> memref<416x128xi32, #tpu.memory_space<hbm>>
      tpu.wait_dma2 semaphore(%run_scoped3A : memref<!tpu.dma_semaphore, #tpu.memory_space<semaphore_mem>>) src(%dma_wait3A_443 : memref<416x128xi32, #tpu.memory_space<hbm>>) dst(%arg8 : memref<416x128xi32, #tpu.memory_space<vmem>>)
      tpu.yield
    }) : () -> ()
    "tpu.region"() ({
      %run_scoped3A = tpu.sem_alloc : memref<!tpu.dma_semaphore, #tpu.memory_space<semaphore_mem>>
      %dma_start3A_428 = arith.constant 0 : i32
      %dma_start3A_429 = arith.constant 0 : i32
      %dma_start3A_430 = tpu.memref_slice %arg5[%add3A, %dma_start3A_428, %dma_start3A_429] : memref<32x26x128xi32, #tpu.memory_space<hbm>> -> memref<1x26x128xi32, #tpu.memory_space<hbm>>
      %dma_start3A_431 = tpu.memref_squeeze %dma_start3A_430 : memref<1x26x128xi32, #tpu.memory_space<hbm>> -> memref<26x128xi32, #tpu.memory_space<hbm>>
      %dma_start3A_432 = arith.constant 0 : i32
      %dma_start3A_433 = arith.constant 0 : i32
      %dma_start3A_434 = tpu.memref_slice %arg5[%add3A, %dma_start3A_432, %dma_start3A_433] : memref<32x26x128xi32, #tpu.memory_space<hbm>> -> memref<1x26x128xi32, #tpu.memory_space<hbm>>
      %dma_start3A_435 = tpu.memref_squeeze %dma_start3A_434 : memref<1x26x128xi32, #tpu.memory_space<hbm>> -> memref<26x128xi32, #tpu.memory_space<hbm>>
      tpu.enqueue_dma source(%dma_start3A_435 : memref<26x128xi32, #tpu.memory_space<hbm>>) target(%arg9 : memref<26x128xi32, #tpu.memory_space<vmem>>) target_semaphore(%run_scoped3A : memref<!tpu.dma_semaphore, #tpu.memory_space<semaphore_mem>>)
      %dma_wait3A_436 = arith.constant 0 : i32
      %dma_wait3A_437 = arith.constant 0 : i32
      %dma_wait3A_438 = tpu.memref_slice %arg5[%add3A, %dma_wait3A_436, %dma_wait3A_437] : memref<32x26x128xi32, #tpu.memory_space<hbm>> -> memref<1x26x128xi32, #tpu.memory_space<hbm>>
      %dma_wait3A_439 = tpu.memref_squeeze %dma_wait3A_438 : memref<1x26x128xi32, #tpu.memory_space<hbm>> -> memref<26x128xi32, #tpu.memory_space<hbm>>
      %dma_wait3A_440 = arith.constant 0 : i32
      %dma_wait3A_441 = arith.constant 0 : i32
      %dma_wait3A_442 = tpu.memref_slice %arg5[%add3A, %dma_wait3A_440, %dma_wait3A_441] : memref<32x26x128xi32, #tpu.memory_space<hbm>> -> memref<1x26x128xi32, #tpu.memory_space<hbm>>
      %dma_wait3A_443 = tpu.memref_squeeze %dma_wait3A_442 : memref<1x26x128xi32, #tpu.memory_space<hbm>> -> memref<26x128xi32, #tpu.memory_space<hbm>>
      tpu.wait_dma2 semaphore(%run_scoped3A : memref<!tpu.dma_semaphore, #tpu.memory_space<semaphore_mem>>) src(%dma_wait3A_443 : memref<26x128xi32, #tpu.memory_space<hbm>>) dst(%arg9 : memref<26x128xi32, #tpu.memory_space<vmem>>)
      tpu.yield
    }) : () -> ()
    %scan3A = arith.constant 0 : i32
    %scan3A_3 = arith.constant 416 : i32
    %scan3A_4 = arith.addi %scan3A, %scan3A_3 : i32
    %scan3A_5 = arith.constant 1 : i32
    scf.for %scan3A_428 = %scan3A to %scan3A_4 step %scan3A_5  : i32 {
      %mul3A_429 = arith.constant 128 : i32
      %mul3A_430 = arith.muli %scan3A_428, %mul3A_429 : i32
      %dma_start3A_431 = tpu.memref_slice %arg10[%mul3A_430] : memref<53248xf32, #tpu.memory_space<vmem>> -> memref<128xf32, #tpu.memory_space<vmem>>
      %dma_start3A_432 = arith.constant 0 : i32
      %dma_start3A_433 = tpu.memref_slice %arg8[%scan3A_428, %dma_start3A_432] : memref<416x128xi32, #tpu.memory_space<vmem>> -> memref<1x128xi32, #tpu.memory_space<vmem>>
      %dma_start3A_434 = tpu.memref_squeeze %dma_start3A_433 : memref<1x128xi32, #tpu.memory_space<vmem>> -> memref<128xi32, #tpu.memory_space<vmem>>
      %dma_start3A_435 = arith.constant 0 : i32
      %dma_start3A_436 = tpu.memref_slice %arg2[%dma_start3A_435] : memref<41600000xf32, #tpu.memory_space<hbm>> -> memref<41600000xf32, #tpu.memory_space<hbm>>
      tpu.enqueue_indirect_dma source(%dma_start3A_436 : memref<41600000xf32, #tpu.memory_space<hbm>>) target(%dma_start3A_431 : memref<128xf32, #tpu.memory_space<vmem>>) offsets(%dma_start3A_434 : memref<128xi32, #tpu.memory_space<vmem>>) semaphore(%arg12 : memref<!tpu.dma_semaphore, #tpu.memory_space<semaphore_mem>>)
    }
    %scan3A_6 = arith.constant 416 : i32
    %dma_start3A = arith.constant 0 : i32
    %dma_start3A_7 = arith.constant 0 : i32
    %dma_start3A_8 = tpu.memref_slice %arg11[%dma_start3A_7] : memref<3328xf32, #tpu.memory_space<vmem>> -> memref<128xf32, #tpu.memory_space<vmem>>
    %dma_start3A_9 = arith.constant 0 : i32
    %dma_start3A_10 = tpu.memref_slice %arg9[%dma_start3A, %dma_start3A_9] : memref<26x128xi32, #tpu.memory_space<vmem>> -> memref<1x128xi32, #tpu.memory_space<vmem>>
    %dma_start3A_11 = tpu.memref_squeeze %dma_start3A_10 : memref<1x128xi32, #tpu.memory_space<vmem>> -> memref<128xi32, #tpu.memory_space<vmem>>
    %dma_start3A_12 = arith.constant 0 : i32
    %dma_start3A_13 = tpu.memref_slice %arg3[%dma_start3A_12] : memref<2600000xf32, #tpu.memory_space<hbm>> -> memref<2600000xf32, #tpu.memory_space<hbm>>
    tpu.enqueue_indirect_dma source(%dma_start3A_13 : memref<2600000xf32, #tpu.memory_space<hbm>>) target(%dma_start3A_8 : memref<128xf32, #tpu.memory_space<vmem>>) offsets(%dma_start3A_11 : memref<128xi32, #tpu.memory_space<vmem>>) semaphore(%arg13 : memref<!tpu.dma_semaphore, #tpu.memory_space<semaphore_mem>>)
    %dma_start3A_14 = arith.constant 1 : i32
    %dma_start3A_15 = arith.constant 128 : i32
    %dma_start3A_16 = tpu.memref_slice %arg11[%dma_start3A_15] : memref<3328xf32, #tpu.memory_space<vmem>> -> memref<128xf32, #tpu.memory_space<vmem>>
    %dma_start3A_17 = arith.constant 0 : i32
    %dma_start3A_18 = tpu.memref_slice %arg9[%dma_start3A_14, %dma_start3A_17] : memref<26x128xi32, #tpu.memory_space<vmem>> -> memref<1x128xi32, #tpu.memory_space<vmem>>
    %dma_start3A_19 = tpu.memref_squeeze %dma_start3A_18 : memref<1x128xi32, #tpu.memory_space<vmem>> -> memref<128xi32, #tpu.memory_space<vmem>>
    %dma_start3A_20 = arith.constant 0 : i32
    %dma_start3A_21 = tpu.memref_slice %arg3[%dma_start3A_20] : memref<2600000xf32, #tpu.memory_space<hbm>> -> memref<2600000xf32, #tpu.memory_space<hbm>>
    tpu.enqueue_indirect_dma source(%dma_start3A_21 : memref<2600000xf32, #tpu.memory_space<hbm>>) target(%dma_start3A_16 : memref<128xf32, #tpu.memory_space<vmem>>) offsets(%dma_start3A_19 : memref<128xi32, #tpu.memory_space<vmem>>) semaphore(%arg13 : memref<!tpu.dma_semaphore, #tpu.memory_space<semaphore_mem>>)
    %dma_start3A_22 = arith.constant 2 : i32
    %dma_start3A_23 = arith.constant 256 : i32
    %dma_start3A_24 = tpu.memref_slice %arg11[%dma_start3A_23] : memref<3328xf32, #tpu.memory_space<vmem>> -> memref<128xf32, #tpu.memory_space<vmem>>
    %dma_start3A_25 = arith.constant 0 : i32
    %dma_start3A_26 = tpu.memref_slice %arg9[%dma_start3A_22, %dma_start3A_25] : memref<26x128xi32, #tpu.memory_space<vmem>> -> memref<1x128xi32, #tpu.memory_space<vmem>>
    %dma_start3A_27 = tpu.memref_squeeze %dma_start3A_26 : memref<1x128xi32, #tpu.memory_space<vmem>> -> memref<128xi32, #tpu.memory_space<vmem>>
    %dma_start3A_28 = arith.constant 0 : i32
    %dma_start3A_29 = tpu.memref_slice %arg3[%dma_start3A_28] : memref<2600000xf32, #tpu.memory_space<hbm>> -> memref<2600000xf32, #tpu.memory_space<hbm>>
    tpu.enqueue_indirect_dma source(%dma_start3A_29 : memref<2600000xf32, #tpu.memory_space<hbm>>) target(%dma_start3A_24 : memref<128xf32, #tpu.memory_space<vmem>>) offsets(%dma_start3A_27 : memref<128xi32, #tpu.memory_space<vmem>>) semaphore(%arg13 : memref<!tpu.dma_semaphore, #tpu.memory_space<semaphore_mem>>)
    %dma_start3A_30 = arith.constant 3 : i32
    %dma_start3A_31 = arith.constant 384 : i32
    %dma_start3A_32 = tpu.memref_slice %arg11[%dma_start3A_31] : memref<3328xf32, #tpu.memory_space<vmem>> -> memref<128xf32, #tpu.memory_space<vmem>>
    %dma_start3A_33 = arith.constant 0 : i32
    %dma_start3A_34 = tpu.memref_slice %arg9[%dma_start3A_30, %dma_start3A_33] : memref<26x128xi32, #tpu.memory_space<vmem>> -> memref<1x128xi32, #tpu.memory_space<vmem>>
    %dma_start3A_35 = tpu.memref_squeeze %dma_start3A_34 : memref<1x128xi32, #tpu.memory_space<vmem>> -> memref<128xi32, #tpu.memory_space<vmem>>
    %dma_start3A_36 = arith.constant 0 : i32
    %dma_start3A_37 = tpu.memref_slice %arg3[%dma_start3A_36] : memref<2600000xf32, #tpu.memory_space<hbm>> -> memref<2600000xf32, #tpu.memory_space<hbm>>
    tpu.enqueue_indirect_dma source(%dma_start3A_37 : memref<2600000xf32, #tpu.memory_space<hbm>>) target(%dma_start3A_32 : memref<128xf32, #tpu.memory_space<vmem>>) offsets(%dma_start3A_35 : memref<128xi32, #tpu.memory_space<vmem>>) semaphore(%arg13 : memref<!tpu.dma_semaphore, #tpu.memory_space<semaphore_mem>>)
    %dma_start3A_38 = arith.constant 4 : i32
    %dma_start3A_39 = arith.constant 512 : i32
    %dma_start3A_40 = tpu.memref_slice %arg11[%dma_start3A_39] : memref<3328xf32, #tpu.memory_space<vmem>> -> memref<128xf32, #tpu.memory_space<vmem>>
    %dma_start3A_41 = arith.constant 0 : i32
    %dma_start3A_42 = tpu.memref_slice %arg9[%dma_start3A_38, %dma_start3A_41] : memref<26x128xi32, #tpu.memory_space<vmem>> -> memref<1x128xi32, #tpu.memory_space<vmem>>
    %dma_start3A_43 = tpu.memref_squeeze %dma_start3A_42 : memref<1x128xi32, #tpu.memory_space<vmem>> -> memref<128xi32, #tpu.memory_space<vmem>>
    %dma_start3A_44 = arith.constant 0 : i32
    %dma_start3A_45 = tpu.memref_slice %arg3[%dma_start3A_44] : memref<2600000xf32, #tpu.memory_space<hbm>> -> memref<2600000xf32, #tpu.memory_space<hbm>>
    tpu.enqueue_indirect_dma source(%dma_start3A_45 : memref<2600000xf32, #tpu.memory_space<hbm>>) target(%dma_start3A_40 : memref<128xf32, #tpu.memory_space<vmem>>) offsets(%dma_start3A_43 : memref<128xi32, #tpu.memory_space<vmem>>) semaphore(%arg13 : memref<!tpu.dma_semaphore, #tpu.memory_space<semaphore_mem>>)
    %dma_start3A_46 = arith.constant 5 : i32
    %dma_start3A_47 = arith.constant 640 : i32
    %dma_start3A_48 = tpu.memref_slice %arg11[%dma_start3A_47] : memref<3328xf32, #tpu.memory_space<vmem>> -> memref<128xf32, #tpu.memory_space<vmem>>
    %dma_start3A_49 = arith.constant 0 : i32
    %dma_start3A_50 = tpu.memref_slice %arg9[%dma_start3A_46, %dma_start3A_49] : memref<26x128xi32, #tpu.memory_space<vmem>> -> memref<1x128xi32, #tpu.memory_space<vmem>>
    %dma_start3A_51 = tpu.memref_squeeze %dma_start3A_50 : memref<1x128xi32, #tpu.memory_space<vmem>> -> memref<128xi32, #tpu.memory_space<vmem>>
    %dma_start3A_52 = arith.constant 0 : i32
    %dma_start3A_53 = tpu.memref_slice %arg3[%dma_start3A_52] : memref<2600000xf32, #tpu.memory_space<hbm>> -> memref<2600000xf32, #tpu.memory_space<hbm>>
    tpu.enqueue_indirect_dma source(%dma_start3A_53 : memref<2600000xf32, #tpu.memory_space<hbm>>) target(%dma_start3A_48 : memref<128xf32, #tpu.memory_space<vmem>>) offsets(%dma_start3A_51 : memref<128xi32, #tpu.memory_space<vmem>>) semaphore(%arg13 : memref<!tpu.dma_semaphore, #tpu.memory_space<semaphore_mem>>)
    %dma_start3A_54 = arith.constant 6 : i32
    %dma_start3A_55 = arith.constant 768 : i32
    %dma_start3A_56 = tpu.memref_slice %arg11[%dma_start3A_55] : memref<3328xf32, #tpu.memory_space<vmem>> -> memref<128xf32, #tpu.memory_space<vmem>>
    %dma_start3A_57 = arith.constant 0 : i32
    %dma_start3A_58 = tpu.memref_slice %arg9[%dma_start3A_54, %dma_start3A_57] : memref<26x128xi32, #tpu.memory_space<vmem>> -> memref<1x128xi32, #tpu.memory_space<vmem>>
    %dma_start3A_59 = tpu.memref_squeeze %dma_start3A_58 : memref<1x128xi32, #tpu.memory_space<vmem>> -> memref<128xi32, #tpu.memory_space<vmem>>
    %dma_start3A_60 = arith.constant 0 : i32
    %dma_start3A_61 = tpu.memref_slice %arg3[%dma_start3A_60] : memref<2600000xf32, #tpu.memory_space<hbm>> -> memref<2600000xf32, #tpu.memory_space<hbm>>
    tpu.enqueue_indirect_dma source(%dma_start3A_61 : memref<2600000xf32, #tpu.memory_space<hbm>>) target(%dma_start3A_56 : memref<128xf32, #tpu.memory_space<vmem>>) offsets(%dma_start3A_59 : memref<128xi32, #tpu.memory_space<vmem>>) semaphore(%arg13 : memref<!tpu.dma_semaphore, #tpu.memory_space<semaphore_mem>>)
    %dma_start3A_62 = arith.constant 7 : i32
    %dma_start3A_63 = arith.constant 896 : i32
    %dma_start3A_64 = tpu.memref_slice %arg11[%dma_start3A_63] : memref<3328xf32, #tpu.memory_space<vmem>> -> memref<128xf32, #tpu.memory_space<vmem>>
    %dma_start3A_65 = arith.constant 0 : i32
    %dma_start3A_66 = tpu.memref_slice %arg9[%dma_start3A_62, %dma_start3A_65] : memref<26x128xi32, #tpu.memory_space<vmem>> -> memref<1x128xi32, #tpu.memory_space<vmem>>
    %dma_start3A_67 = tpu.memref_squeeze %dma_start3A_66 : memref<1x128xi32, #tpu.memory_space<vmem>> -> memref<128xi32, #tpu.memory_space<vmem>>
    %dma_start3A_68 = arith.constant 0 : i32
    %dma_start3A_69 = tpu.memref_slice %arg3[%dma_start3A_68] : memref<2600000xf32, #tpu.memory_space<hbm>> -> memref<2600000xf32, #tpu.memory_space<hbm>>
    tpu.enqueue_indirect_dma source(%dma_start3A_69 : memref<2600000xf32, #tpu.memory_space<hbm>>) target(%dma_start3A_64 : memref<128xf32, #tpu.memory_space<vmem>>) offsets(%dma_start3A_67 : memref<128xi32, #tpu.memory_space<vmem>>) semaphore(%arg13 : memref<!tpu.dma_semaphore, #tpu.memory_space<semaphore_mem>>)
    %dma_start3A_70 = arith.constant 8 : i32
    %dma_start3A_71 = arith.constant 1024 : i32
    %dma_start3A_72 = tpu.memref_slice %arg11[%dma_start3A_71] : memref<3328xf32, #tpu.memory_space<vmem>> -> memref<128xf32, #tpu.memory_space<vmem>>
    %dma_start3A_73 = arith.constant 0 : i32
    %dma_start3A_74 = tpu.memref_slice %arg9[%dma_start3A_70, %dma_start3A_73] : memref<26x128xi32, #tpu.memory_space<vmem>> -> memref<1x128xi32, #tpu.memory_space<vmem>>
    %dma_start3A_75 = tpu.memref_squeeze %dma_start3A_74 : memref<1x128xi32, #tpu.memory_space<vmem>> -> memref<128xi32, #tpu.memory_space<vmem>>
    %dma_start3A_76 = arith.constant 0 : i32
    %dma_start3A_77 = tpu.memref_slice %arg3[%dma_start3A_76] : memref<2600000xf32, #tpu.memory_space<hbm>> -> memref<2600000xf32, #tpu.memory_space<hbm>>
    tpu.enqueue_indirect_dma source(%dma_start3A_77 : memref<2600000xf32, #tpu.memory_space<hbm>>) target(%dma_start3A_72 : memref<128xf32, #tpu.memory_space<vmem>>) offsets(%dma_start3A_75 : memref<128xi32, #tpu.memory_space<vmem>>) semaphore(%arg13 : memref<!tpu.dma_semaphore, #tpu.memory_space<semaphore_mem>>)
    %dma_start3A_78 = arith.constant 9 : i32
    %dma_start3A_79 = arith.constant 1152 : i32
    %dma_start3A_80 = tpu.memref_slice %arg11[%dma_start3A_79] : memref<3328xf32, #tpu.memory_space<vmem>> -> memref<128xf32, #tpu.memory_space<vmem>>
    %dma_start3A_81 = arith.constant 0 : i32
    %dma_start3A_82 = tpu.memref_slice %arg9[%dma_start3A_78, %dma_start3A_81] : memref<26x128xi32, #tpu.memory_space<vmem>> -> memref<1x128xi32, #tpu.memory_space<vmem>>
    %dma_start3A_83 = tpu.memref_squeeze %dma_start3A_82 : memref<1x128xi32, #tpu.memory_space<vmem>> -> memref<128xi32, #tpu.memory_space<vmem>>
    %dma_start3A_84 = arith.constant 0 : i32
    %dma_start3A_85 = tpu.memref_slice %arg3[%dma_start3A_84] : memref<2600000xf32, #tpu.memory_space<hbm>> -> memref<2600000xf32, #tpu.memory_space<hbm>>
    tpu.enqueue_indirect_dma source(%dma_start3A_85 : memref<2600000xf32, #tpu.memory_space<hbm>>) target(%dma_start3A_80 : memref<128xf32, #tpu.memory_space<vmem>>) offsets(%dma_start3A_83 : memref<128xi32, #tpu.memory_space<vmem>>) semaphore(%arg13 : memref<!tpu.dma_semaphore, #tpu.memory_space<semaphore_mem>>)
    %dma_start3A_86 = arith.constant 10 : i32
    %dma_start3A_87 = arith.constant 1280 : i32
    %dma_start3A_88 = tpu.memref_slice %arg11[%dma_start3A_87] : memref<3328xf32, #tpu.memory_space<vmem>> -> memref<128xf32, #tpu.memory_space<vmem>>
    %dma_start3A_89 = arith.constant 0 : i32
    %dma_start3A_90 = tpu.memref_slice %arg9[%dma_start3A_86, %dma_start3A_89] : memref<26x128xi32, #tpu.memory_space<vmem>> -> memref<1x128xi32, #tpu.memory_space<vmem>>
    %dma_start3A_91 = tpu.memref_squeeze %dma_start3A_90 : memref<1x128xi32, #tpu.memory_space<vmem>> -> memref<128xi32, #tpu.memory_space<vmem>>
    %dma_start3A_92 = arith.constant 0 : i32
    %dma_start3A_93 = tpu.memref_slice %arg3[%dma_start3A_92] : memref<2600000xf32, #tpu.memory_space<hbm>> -> memref<2600000xf32, #tpu.memory_space<hbm>>
    tpu.enqueue_indirect_dma source(%dma_start3A_93 : memref<2600000xf32, #tpu.memory_space<hbm>>) target(%dma_start3A_88 : memref<128xf32, #tpu.memory_space<vmem>>) offsets(%dma_start3A_91 : memref<128xi32, #tpu.memory_space<vmem>>) semaphore(%arg13 : memref<!tpu.dma_semaphore, #tpu.memory_space<semaphore_mem>>)
    %dma_start3A_94 = arith.constant 11 : i32
    %dma_start3A_95 = arith.constant 1408 : i32
    %dma_start3A_96 = tpu.memref_slice %arg11[%dma_start3A_95] : memref<3328xf32, #tpu.memory_space<vmem>> -> memref<128xf32, #tpu.memory_space<vmem>>
    %dma_start3A_97 = arith.constant 0 : i32
    %dma_start3A_98 = tpu.memref_slice %arg9[%dma_start3A_94, %dma_start3A_97] : memref<26x128xi32, #tpu.memory_space<vmem>> -> memref<1x128xi32, #tpu.memory_space<vmem>>
    %dma_start3A_99 = tpu.memref_squeeze %dma_start3A_98 : memref<1x128xi32, #tpu.memory_space<vmem>> -> memref<128xi32, #tpu.memory_space<vmem>>
    %dma_start3A_100 = arith.constant 0 : i32
    %dma_start3A_101 = tpu.memref_slice %arg3[%dma_start3A_100] : memref<2600000xf32, #tpu.memory_space<hbm>> -> memref<2600000xf32, #tpu.memory_space<hbm>>
    tpu.enqueue_indirect_dma source(%dma_start3A_101 : memref<2600000xf32, #tpu.memory_space<hbm>>) target(%dma_start3A_96 : memref<128xf32, #tpu.memory_space<vmem>>) offsets(%dma_start3A_99 : memref<128xi32, #tpu.memory_space<vmem>>) semaphore(%arg13 : memref<!tpu.dma_semaphore, #tpu.memory_space<semaphore_mem>>)
    %dma_start3A_102 = arith.constant 12 : i32
    %dma_start3A_103 = arith.constant 1536 : i32
    %dma_start3A_104 = tpu.memref_slice %arg11[%dma_start3A_103] : memref<3328xf32, #tpu.memory_space<vmem>> -> memref<128xf32, #tpu.memory_space<vmem>>
    %dma_start3A_105 = arith.constant 0 : i32
    %dma_start3A_106 = tpu.memref_slice %arg9[%dma_start3A_102, %dma_start3A_105] : memref<26x128xi32, #tpu.memory_space<vmem>> -> memref<1x128xi32, #tpu.memory_space<vmem>>
    %dma_start3A_107 = tpu.memref_squeeze %dma_start3A_106 : memref<1x128xi32, #tpu.memory_space<vmem>> -> memref<128xi32, #tpu.memory_space<vmem>>
    %dma_start3A_108 = arith.constant 0 : i32
    %dma_start3A_109 = tpu.memref_slice %arg3[%dma_start3A_108] : memref<2600000xf32, #tpu.memory_space<hbm>> -> memref<2600000xf32, #tpu.memory_space<hbm>>
    tpu.enqueue_indirect_dma source(%dma_start3A_109 : memref<2600000xf32, #tpu.memory_space<hbm>>) target(%dma_start3A_104 : memref<128xf32, #tpu.memory_space<vmem>>) offsets(%dma_start3A_107 : memref<128xi32, #tpu.memory_space<vmem>>) semaphore(%arg13 : memref<!tpu.dma_semaphore, #tpu.memory_space<semaphore_mem>>)
    %dma_start3A_110 = arith.constant 13 : i32
    %dma_start3A_111 = arith.constant 1664 : i32
    %dma_start3A_112 = tpu.memref_slice %arg11[%dma_start3A_111] : memref<3328xf32, #tpu.memory_space<vmem>> -> memref<128xf32, #tpu.memory_space<vmem>>
    %dma_start3A_113 = arith.constant 0 : i32
    %dma_start3A_114 = tpu.memref_slice %arg9[%dma_start3A_110, %dma_start3A_113] : memref<26x128xi32, #tpu.memory_space<vmem>> -> memref<1x128xi32, #tpu.memory_space<vmem>>
    %dma_start3A_115 = tpu.memref_squeeze %dma_start3A_114 : memref<1x128xi32, #tpu.memory_space<vmem>> -> memref<128xi32, #tpu.memory_space<vmem>>
    %dma_start3A_116 = arith.constant 0 : i32
    %dma_start3A_117 = tpu.memref_slice %arg3[%dma_start3A_116] : memref<2600000xf32, #tpu.memory_space<hbm>> -> memref<2600000xf32, #tpu.memory_space<hbm>>
    tpu.enqueue_indirect_dma source(%dma_start3A_117 : memref<2600000xf32, #tpu.memory_space<hbm>>) target(%dma_start3A_112 : memref<128xf32, #tpu.memory_space<vmem>>) offsets(%dma_start3A_115 : memref<128xi32, #tpu.memory_space<vmem>>) semaphore(%arg13 : memref<!tpu.dma_semaphore, #tpu.memory_space<semaphore_mem>>)
    %dma_start3A_118 = arith.constant 14 : i32
    %dma_start3A_119 = arith.constant 1792 : i32
    %dma_start3A_120 = tpu.memref_slice %arg11[%dma_start3A_119] : memref<3328xf32, #tpu.memory_space<vmem>> -> memref<128xf32, #tpu.memory_space<vmem>>
    %dma_start3A_121 = arith.constant 0 : i32
    %dma_start3A_122 = tpu.memref_slice %arg9[%dma_start3A_118, %dma_start3A_121] : memref<26x128xi32, #tpu.memory_space<vmem>> -> memref<1x128xi32, #tpu.memory_space<vmem>>
    %dma_start3A_123 = tpu.memref_squeeze %dma_start3A_122 : memref<1x128xi32, #tpu.memory_space<vmem>> -> memref<128xi32, #tpu.memory_space<vmem>>
    %dma_start3A_124 = arith.constant 0 : i32
    %dma_start3A_125 = tpu.memref_slice %arg3[%dma_start3A_124] : memref<2600000xf32, #tpu.memory_space<hbm>> -> memref<2600000xf32, #tpu.memory_space<hbm>>
    tpu.enqueue_indirect_dma source(%dma_start3A_125 : memref<2600000xf32, #tpu.memory_space<hbm>>) target(%dma_start3A_120 : memref<128xf32, #tpu.memory_space<vmem>>) offsets(%dma_start3A_123 : memref<128xi32, #tpu.memory_space<vmem>>) semaphore(%arg13 : memref<!tpu.dma_semaphore, #tpu.memory_space<semaphore_mem>>)
    %dma_start3A_126 = arith.constant 15 : i32
    %dma_start3A_127 = arith.constant 1920 : i32
    %dma_start3A_128 = tpu.memref_slice %arg11[%dma_start3A_127] : memref<3328xf32, #tpu.memory_space<vmem>> -> memref<128xf32, #tpu.memory_space<vmem>>
    %dma_start3A_129 = arith.constant 0 : i32
    %dma_start3A_130 = tpu.memref_slice %arg9[%dma_start3A_126, %dma_start3A_129] : memref<26x128xi32, #tpu.memory_space<vmem>> -> memref<1x128xi32, #tpu.memory_space<vmem>>
    %dma_start3A_131 = tpu.memref_squeeze %dma_start3A_130 : memref<1x128xi32, #tpu.memory_space<vmem>> -> memref<128xi32, #tpu.memory_space<vmem>>
    %dma_start3A_132 = arith.constant 0 : i32
    %dma_start3A_133 = tpu.memref_slice %arg3[%dma_start3A_132] : memref<2600000xf32, #tpu.memory_space<hbm>> -> memref<2600000xf32, #tpu.memory_space<hbm>>
    tpu.enqueue_indirect_dma source(%dma_start3A_133 : memref<2600000xf32, #tpu.memory_space<hbm>>) target(%dma_start3A_128 : memref<128xf32, #tpu.memory_space<vmem>>) offsets(%dma_start3A_131 : memref<128xi32, #tpu.memory_space<vmem>>) semaphore(%arg13 : memref<!tpu.dma_semaphore, #tpu.memory_space<semaphore_mem>>)
    %dma_start3A_134 = arith.constant 16 : i32
    %dma_start3A_135 = arith.constant 2048 : i32
    %dma_start3A_136 = tpu.memref_slice %arg11[%dma_start3A_135] : memref<3328xf32, #tpu.memory_space<vmem>> -> memref<128xf32, #tpu.memory_space<vmem>>
    %dma_start3A_137 = arith.constant 0 : i32
    %dma_start3A_138 = tpu.memref_slice %arg9[%dma_start3A_134, %dma_start3A_137] : memref<26x128xi32, #tpu.memory_space<vmem>> -> memref<1x128xi32, #tpu.memory_space<vmem>>
    %dma_start3A_139 = tpu.memref_squeeze %dma_start3A_138 : memref<1x128xi32, #tpu.memory_space<vmem>> -> memref<128xi32, #tpu.memory_space<vmem>>
    %dma_start3A_140 = arith.constant 0 : i32
    %dma_start3A_141 = tpu.memref_slice %arg3[%dma_start3A_140] : memref<2600000xf32, #tpu.memory_space<hbm>> -> memref<2600000xf32, #tpu.memory_space<hbm>>
    tpu.enqueue_indirect_dma source(%dma_start3A_141 : memref<2600000xf32, #tpu.memory_space<hbm>>) target(%dma_start3A_136 : memref<128xf32, #tpu.memory_space<vmem>>) offsets(%dma_start3A_139 : memref<128xi32, #tpu.memory_space<vmem>>) semaphore(%arg13 : memref<!tpu.dma_semaphore, #tpu.memory_space<semaphore_mem>>)
    %dma_start3A_142 = arith.constant 17 : i32
    %dma_start3A_143 = arith.constant 2176 : i32
    %dma_start3A_144 = tpu.memref_slice %arg11[%dma_start3A_143] : memref<3328xf32, #tpu.memory_space<vmem>> -> memref<128xf32, #tpu.memory_space<vmem>>
    %dma_start3A_145 = arith.constant 0 : i32
    %dma_start3A_146 = tpu.memref_slice %arg9[%dma_start3A_142, %dma_start3A_145] : memref<26x128xi32, #tpu.memory_space<vmem>> -> memref<1x128xi32, #tpu.memory_space<vmem>>
    %dma_start3A_147 = tpu.memref_squeeze %dma_start3A_146 : memref<1x128xi32, #tpu.memory_space<vmem>> -> memref<128xi32, #tpu.memory_space<vmem>>
    %dma_start3A_148 = arith.constant 0 : i32
    %dma_start3A_149 = tpu.memref_slice %arg3[%dma_start3A_148] : memref<2600000xf32, #tpu.memory_space<hbm>> -> memref<2600000xf32, #tpu.memory_space<hbm>>
    tpu.enqueue_indirect_dma source(%dma_start3A_149 : memref<2600000xf32, #tpu.memory_space<hbm>>) target(%dma_start3A_144 : memref<128xf32, #tpu.memory_space<vmem>>) offsets(%dma_start3A_147 : memref<128xi32, #tpu.memory_space<vmem>>) semaphore(%arg13 : memref<!tpu.dma_semaphore, #tpu.memory_space<semaphore_mem>>)
    %dma_start3A_150 = arith.constant 18 : i32
    %dma_start3A_151 = arith.constant 2304 : i32
    %dma_start3A_152 = tpu.memref_slice %arg11[%dma_start3A_151] : memref<3328xf32, #tpu.memory_space<vmem>> -> memref<128xf32, #tpu.memory_space<vmem>>
    %dma_start3A_153 = arith.constant 0 : i32
    %dma_start3A_154 = tpu.memref_slice %arg9[%dma_start3A_150, %dma_start3A_153] : memref<26x128xi32, #tpu.memory_space<vmem>> -> memref<1x128xi32, #tpu.memory_space<vmem>>
    %dma_start3A_155 = tpu.memref_squeeze %dma_start3A_154 : memref<1x128xi32, #tpu.memory_space<vmem>> -> memref<128xi32, #tpu.memory_space<vmem>>
    %dma_start3A_156 = arith.constant 0 : i32
    %dma_start3A_157 = tpu.memref_slice %arg3[%dma_start3A_156] : memref<2600000xf32, #tpu.memory_space<hbm>> -> memref<2600000xf32, #tpu.memory_space<hbm>>
    tpu.enqueue_indirect_dma source(%dma_start3A_157 : memref<2600000xf32, #tpu.memory_space<hbm>>) target(%dma_start3A_152 : memref<128xf32, #tpu.memory_space<vmem>>) offsets(%dma_start3A_155 : memref<128xi32, #tpu.memory_space<vmem>>) semaphore(%arg13 : memref<!tpu.dma_semaphore, #tpu.memory_space<semaphore_mem>>)
    %dma_start3A_158 = arith.constant 19 : i32
    %dma_start3A_159 = arith.constant 2432 : i32
    %dma_start3A_160 = tpu.memref_slice %arg11[%dma_start3A_159] : memref<3328xf32, #tpu.memory_space<vmem>> -> memref<128xf32, #tpu.memory_space<vmem>>
    %dma_start3A_161 = arith.constant 0 : i32
    %dma_start3A_162 = tpu.memref_slice %arg9[%dma_start3A_158, %dma_start3A_161] : memref<26x128xi32, #tpu.memory_space<vmem>> -> memref<1x128xi32, #tpu.memory_space<vmem>>
    %dma_start3A_163 = tpu.memref_squeeze %dma_start3A_162 : memref<1x128xi32, #tpu.memory_space<vmem>> -> memref<128xi32, #tpu.memory_space<vmem>>
    %dma_start3A_164 = arith.constant 0 : i32
    %dma_start3A_165 = tpu.memref_slice %arg3[%dma_start3A_164] : memref<2600000xf32, #tpu.memory_space<hbm>> -> memref<2600000xf32, #tpu.memory_space<hbm>>
    tpu.enqueue_indirect_dma source(%dma_start3A_165 : memref<2600000xf32, #tpu.memory_space<hbm>>) target(%dma_start3A_160 : memref<128xf32, #tpu.memory_space<vmem>>) offsets(%dma_start3A_163 : memref<128xi32, #tpu.memory_space<vmem>>) semaphore(%arg13 : memref<!tpu.dma_semaphore, #tpu.memory_space<semaphore_mem>>)
    %dma_start3A_166 = arith.constant 20 : i32
    %dma_start3A_167 = arith.constant 2560 : i32
    %dma_start3A_168 = tpu.memref_slice %arg11[%dma_start3A_167] : memref<3328xf32, #tpu.memory_space<vmem>> -> memref<128xf32, #tpu.memory_space<vmem>>
    %dma_start3A_169 = arith.constant 0 : i32
    %dma_start3A_170 = tpu.memref_slice %arg9[%dma_start3A_166, %dma_start3A_169] : memref<26x128xi32, #tpu.memory_space<vmem>> -> memref<1x128xi32, #tpu.memory_space<vmem>>
    %dma_start3A_171 = tpu.memref_squeeze %dma_start3A_170 : memref<1x128xi32, #tpu.memory_space<vmem>> -> memref<128xi32, #tpu.memory_space<vmem>>
    %dma_start3A_172 = arith.constant 0 : i32
    %dma_start3A_173 = tpu.memref_slice %arg3[%dma_start3A_172] : memref<2600000xf32, #tpu.memory_space<hbm>> -> memref<2600000xf32, #tpu.memory_space<hbm>>
    tpu.enqueue_indirect_dma source(%dma_start3A_173 : memref<2600000xf32, #tpu.memory_space<hbm>>) target(%dma_start3A_168 : memref<128xf32, #tpu.memory_space<vmem>>) offsets(%dma_start3A_171 : memref<128xi32, #tpu.memory_space<vmem>>) semaphore(%arg13 : memref<!tpu.dma_semaphore, #tpu.memory_space<semaphore_mem>>)
    %dma_start3A_174 = arith.constant 21 : i32
    %dma_start3A_175 = arith.constant 2688 : i32
    %dma_start3A_176 = tpu.memref_slice %arg11[%dma_start3A_175] : memref<3328xf32, #tpu.memory_space<vmem>> -> memref<128xf32, #tpu.memory_space<vmem>>
    %dma_start3A_177 = arith.constant 0 : i32
    %dma_start3A_178 = tpu.memref_slice %arg9[%dma_start3A_174, %dma_start3A_177] : memref<26x128xi32, #tpu.memory_space<vmem>> -> memref<1x128xi32, #tpu.memory_space<vmem>>
    %dma_start3A_179 = tpu.memref_squeeze %dma_start3A_178 : memref<1x128xi32, #tpu.memory_space<vmem>> -> memref<128xi32, #tpu.memory_space<vmem>>
    %dma_start3A_180 = arith.constant 0 : i32
    %dma_start3A_181 = tpu.memref_slice %arg3[%dma_start3A_180] : memref<2600000xf32, #tpu.memory_space<hbm>> -> memref<2600000xf32, #tpu.memory_space<hbm>>
    tpu.enqueue_indirect_dma source(%dma_start3A_181 : memref<2600000xf32, #tpu.memory_space<hbm>>) target(%dma_start3A_176 : memref<128xf32, #tpu.memory_space<vmem>>) offsets(%dma_start3A_179 : memref<128xi32, #tpu.memory_space<vmem>>) semaphore(%arg13 : memref<!tpu.dma_semaphore, #tpu.memory_space<semaphore_mem>>)
    %dma_start3A_182 = arith.constant 22 : i32
    %dma_start3A_183 = arith.constant 2816 : i32
    %dma_start3A_184 = tpu.memref_slice %arg11[%dma_start3A_183] : memref<3328xf32, #tpu.memory_space<vmem>> -> memref<128xf32, #tpu.memory_space<vmem>>
    %dma_start3A_185 = arith.constant 0 : i32
    %dma_start3A_186 = tpu.memref_slice %arg9[%dma_start3A_182, %dma_start3A_185] : memref<26x128xi32, #tpu.memory_space<vmem>> -> memref<1x128xi32, #tpu.memory_space<vmem>>
    %dma_start3A_187 = tpu.memref_squeeze %dma_start3A_186 : memref<1x128xi32, #tpu.memory_space<vmem>> -> memref<128xi32, #tpu.memory_space<vmem>>
    %dma_start3A_188 = arith.constant 0 : i32
    %dma_start3A_189 = tpu.memref_slice %arg3[%dma_start3A_188] : memref<2600000xf32, #tpu.memory_space<hbm>> -> memref<2600000xf32, #tpu.memory_space<hbm>>
    tpu.enqueue_indirect_dma source(%dma_start3A_189 : memref<2600000xf32, #tpu.memory_space<hbm>>) target(%dma_start3A_184 : memref<128xf32, #tpu.memory_space<vmem>>) offsets(%dma_start3A_187 : memref<128xi32, #tpu.memory_space<vmem>>) semaphore(%arg13 : memref<!tpu.dma_semaphore, #tpu.memory_space<semaphore_mem>>)
    %dma_start3A_190 = arith.constant 23 : i32
    %dma_start3A_191 = arith.constant 2944 : i32
    %dma_start3A_192 = tpu.memref_slice %arg11[%dma_start3A_191] : memref<3328xf32, #tpu.memory_space<vmem>> -> memref<128xf32, #tpu.memory_space<vmem>>
    %dma_start3A_193 = arith.constant 0 : i32
    %dma_start3A_194 = tpu.memref_slice %arg9[%dma_start3A_190, %dma_start3A_193] : memref<26x128xi32, #tpu.memory_space<vmem>> -> memref<1x128xi32, #tpu.memory_space<vmem>>
    %dma_start3A_195 = tpu.memref_squeeze %dma_start3A_194 : memref<1x128xi32, #tpu.memory_space<vmem>> -> memref<128xi32, #tpu.memory_space<vmem>>
    %dma_start3A_196 = arith.constant 0 : i32
    %dma_start3A_197 = tpu.memref_slice %arg3[%dma_start3A_196] : memref<2600000xf32, #tpu.memory_space<hbm>> -> memref<2600000xf32, #tpu.memory_space<hbm>>
    tpu.enqueue_indirect_dma source(%dma_start3A_197 : memref<2600000xf32, #tpu.memory_space<hbm>>) target(%dma_start3A_192 : memref<128xf32, #tpu.memory_space<vmem>>) offsets(%dma_start3A_195 : memref<128xi32, #tpu.memory_space<vmem>>) semaphore(%arg13 : memref<!tpu.dma_semaphore, #tpu.memory_space<semaphore_mem>>)
    %dma_start3A_198 = arith.constant 24 : i32
    %dma_start3A_199 = arith.constant 3072 : i32
    %dma_start3A_200 = tpu.memref_slice %arg11[%dma_start3A_199] : memref<3328xf32, #tpu.memory_space<vmem>> -> memref<128xf32, #tpu.memory_space<vmem>>
    %dma_start3A_201 = arith.constant 0 : i32
    %dma_start3A_202 = tpu.memref_slice %arg9[%dma_start3A_198, %dma_start3A_201] : memref<26x128xi32, #tpu.memory_space<vmem>> -> memref<1x128xi32, #tpu.memory_space<vmem>>
    %dma_start3A_203 = tpu.memref_squeeze %dma_start3A_202 : memref<1x128xi32, #tpu.memory_space<vmem>> -> memref<128xi32, #tpu.memory_space<vmem>>
    %dma_start3A_204 = arith.constant 0 : i32
    %dma_start3A_205 = tpu.memref_slice %arg3[%dma_start3A_204] : memref<2600000xf32, #tpu.memory_space<hbm>> -> memref<2600000xf32, #tpu.memory_space<hbm>>
    tpu.enqueue_indirect_dma source(%dma_start3A_205 : memref<2600000xf32, #tpu.memory_space<hbm>>) target(%dma_start3A_200 : memref<128xf32, #tpu.memory_space<vmem>>) offsets(%dma_start3A_203 : memref<128xi32, #tpu.memory_space<vmem>>) semaphore(%arg13 : memref<!tpu.dma_semaphore, #tpu.memory_space<semaphore_mem>>)
    %dma_start3A_206 = arith.constant 25 : i32
    %dma_start3A_207 = arith.constant 3200 : i32
    %dma_start3A_208 = tpu.memref_slice %arg11[%dma_start3A_207] : memref<3328xf32, #tpu.memory_space<vmem>> -> memref<128xf32, #tpu.memory_space<vmem>>
    %dma_start3A_209 = arith.constant 0 : i32
    %dma_start3A_210 = tpu.memref_slice %arg9[%dma_start3A_206, %dma_start3A_209] : memref<26x128xi32, #tpu.memory_space<vmem>> -> memref<1x128xi32, #tpu.memory_space<vmem>>
    %dma_start3A_211 = tpu.memref_squeeze %dma_start3A_210 : memref<1x128xi32, #tpu.memory_space<vmem>> -> memref<128xi32, #tpu.memory_space<vmem>>
    %dma_start3A_212 = arith.constant 0 : i32
    %dma_start3A_213 = tpu.memref_slice %arg3[%dma_start3A_212] : memref<2600000xf32, #tpu.memory_space<hbm>> -> memref<2600000xf32, #tpu.memory_space<hbm>>
    tpu.enqueue_indirect_dma source(%dma_start3A_213 : memref<2600000xf32, #tpu.memory_space<hbm>>) target(%dma_start3A_208 : memref<128xf32, #tpu.memory_space<vmem>>) offsets(%dma_start3A_211 : memref<128xi32, #tpu.memory_space<vmem>>) semaphore(%arg13 : memref<!tpu.dma_semaphore, #tpu.memory_space<semaphore_mem>>)
    %scan3A_214 = arith.constant 0 : i32
    %scan3A_215 = arith.constant 416 : i32
    %scan3A_216 = arith.addi %scan3A_214, %scan3A_215 : i32
    %scan3A_217 = arith.constant 1 : i32
    scf.for %scan3A_428 = %scan3A_214 to %scan3A_216 step %scan3A_217  : i32 {
      %dma_wait3A_429 = arith.constant 0 : i32
      %dma_wait3A_430 = arith.constant 0 : i32
      %dma_wait3A_431 = tpu.memref_slice %arg10[%dma_wait3A_430] : memref<53248xf32, #tpu.memory_space<vmem>> -> memref<128xf32, #tpu.memory_space<vmem>>
      %dma_wait3A_432 = arith.constant 0 : i32
      %dma_wait3A_433 = tpu.memref_slice %arg8[%dma_wait3A_429, %dma_wait3A_432] : memref<416x128xi32, #tpu.memory_space<vmem>> -> memref<1x128xi32, #tpu.memory_space<vmem>>
      %dma_wait3A_434 = tpu.memref_squeeze %dma_wait3A_433 : memref<1x128xi32, #tpu.memory_space<vmem>> -> memref<128xi32, #tpu.memory_space<vmem>>
      %dma_wait3A_435 = arith.constant 0 : i32
      %dma_wait3A_436 = tpu.memref_slice %arg2[%dma_wait3A_435] : memref<41600000xf32, #tpu.memory_space<hbm>> -> memref<41600000xf32, #tpu.memory_space<hbm>>
      tpu.wait_indirect_dma semaphore(%arg12 : memref<!tpu.dma_semaphore, #tpu.memory_space<semaphore_mem>>) src(%dma_wait3A_436 : memref<41600000xf32, #tpu.memory_space<hbm>>) dst(%dma_wait3A_431 : memref<128xf32, #tpu.memory_space<vmem>>)
    }
    %scan3A_218 = arith.constant 416 : i32
    %dma_wait3A = arith.constant 0 : i32
    %dma_wait3A_219 = arith.constant 0 : i32
    %dma_wait3A_220 = tpu.memref_slice %arg11[%dma_wait3A_219] : memref<3328xf32, #tpu.memory_space<vmem>> -> memref<128xf32, #tpu.memory_space<vmem>>
    %dma_wait3A_221 = arith.constant 0 : i32
    %dma_wait3A_222 = tpu.memref_slice %arg9[%dma_wait3A, %dma_wait3A_221] : memref<26x128xi32, #tpu.memory_space<vmem>> -> memref<1x128xi32, #tpu.memory_space<vmem>>
    %dma_wait3A_223 = tpu.memref_squeeze %dma_wait3A_222 : memref<1x128xi32, #tpu.memory_space<vmem>> -> memref<128xi32, #tpu.memory_space<vmem>>
    %dma_wait3A_224 = arith.constant 0 : i32
    %dma_wait3A_225 = tpu.memref_slice %arg3[%dma_wait3A_224] : memref<2600000xf32, #tpu.memory_space<hbm>> -> memref<2600000xf32, #tpu.memory_space<hbm>>
    tpu.wait_indirect_dma semaphore(%arg13 : memref<!tpu.dma_semaphore, #tpu.memory_space<semaphore_mem>>) src(%dma_wait3A_225 : memref<2600000xf32, #tpu.memory_space<hbm>>) dst(%dma_wait3A_220 : memref<128xf32, #tpu.memory_space<vmem>>)
    %dma_wait3A_226 = arith.constant 1 : i32
    %dma_wait3A_227 = arith.constant 128 : i32
    %dma_wait3A_228 = tpu.memref_slice %arg11[%dma_wait3A_227] : memref<3328xf32, #tpu.memory_space<vmem>> -> memref<128xf32, #tpu.memory_space<vmem>>
    %dma_wait3A_229 = arith.constant 0 : i32
    %dma_wait3A_230 = tpu.memref_slice %arg9[%dma_wait3A_226, %dma_wait3A_229] : memref<26x128xi32, #tpu.memory_space<vmem>> -> memref<1x128xi32, #tpu.memory_space<vmem>>
    %dma_wait3A_231 = tpu.memref_squeeze %dma_wait3A_230 : memref<1x128xi32, #tpu.memory_space<vmem>> -> memref<128xi32, #tpu.memory_space<vmem>>
    %dma_wait3A_232 = arith.constant 0 : i32
    %dma_wait3A_233 = tpu.memref_slice %arg3[%dma_wait3A_232] : memref<2600000xf32, #tpu.memory_space<hbm>> -> memref<2600000xf32, #tpu.memory_space<hbm>>
    tpu.wait_indirect_dma semaphore(%arg13 : memref<!tpu.dma_semaphore, #tpu.memory_space<semaphore_mem>>) src(%dma_wait3A_233 : memref<2600000xf32, #tpu.memory_space<hbm>>) dst(%dma_wait3A_228 : memref<128xf32, #tpu.memory_space<vmem>>)
    %dma_wait3A_234 = arith.constant 2 : i32
    %dma_wait3A_235 = arith.constant 256 : i32
    %dma_wait3A_236 = tpu.memref_slice %arg11[%dma_wait3A_235] : memref<3328xf32, #tpu.memory_space<vmem>> -> memref<128xf32, #tpu.memory_space<vmem>>
    %dma_wait3A_237 = arith.constant 0 : i32
    %dma_wait3A_238 = tpu.memref_slice %arg9[%dma_wait3A_234, %dma_wait3A_237] : memref<26x128xi32, #tpu.memory_space<vmem>> -> memref<1x128xi32, #tpu.memory_space<vmem>>
    %dma_wait3A_239 = tpu.memref_squeeze %dma_wait3A_238 : memref<1x128xi32, #tpu.memory_space<vmem>> -> memref<128xi32, #tpu.memory_space<vmem>>
    %dma_wait3A_240 = arith.constant 0 : i32
    %dma_wait3A_241 = tpu.memref_slice %arg3[%dma_wait3A_240] : memref<2600000xf32, #tpu.memory_space<hbm>> -> memref<2600000xf32, #tpu.memory_space<hbm>>
    tpu.wait_indirect_dma semaphore(%arg13 : memref<!tpu.dma_semaphore, #tpu.memory_space<semaphore_mem>>) src(%dma_wait3A_241 : memref<2600000xf32, #tpu.memory_space<hbm>>) dst(%dma_wait3A_236 : memref<128xf32, #tpu.memory_space<vmem>>)
    %dma_wait3A_242 = arith.constant 3 : i32
    %dma_wait3A_243 = arith.constant 384 : i32
    %dma_wait3A_244 = tpu.memref_slice %arg11[%dma_wait3A_243] : memref<3328xf32, #tpu.memory_space<vmem>> -> memref<128xf32, #tpu.memory_space<vmem>>
    %dma_wait3A_245 = arith.constant 0 : i32
    %dma_wait3A_246 = tpu.memref_slice %arg9[%dma_wait3A_242, %dma_wait3A_245] : memref<26x128xi32, #tpu.memory_space<vmem>> -> memref<1x128xi32, #tpu.memory_space<vmem>>
    %dma_wait3A_247 = tpu.memref_squeeze %dma_wait3A_246 : memref<1x128xi32, #tpu.memory_space<vmem>> -> memref<128xi32, #tpu.memory_space<vmem>>
    %dma_wait3A_248 = arith.constant 0 : i32
    %dma_wait3A_249 = tpu.memref_slice %arg3[%dma_wait3A_248] : memref<2600000xf32, #tpu.memory_space<hbm>> -> memref<2600000xf32, #tpu.memory_space<hbm>>
    tpu.wait_indirect_dma semaphore(%arg13 : memref<!tpu.dma_semaphore, #tpu.memory_space<semaphore_mem>>) src(%dma_wait3A_249 : memref<2600000xf32, #tpu.memory_space<hbm>>) dst(%dma_wait3A_244 : memref<128xf32, #tpu.memory_space<vmem>>)
    %dma_wait3A_250 = arith.constant 4 : i32
    %dma_wait3A_251 = arith.constant 512 : i32
    %dma_wait3A_252 = tpu.memref_slice %arg11[%dma_wait3A_251] : memref<3328xf32, #tpu.memory_space<vmem>> -> memref<128xf32, #tpu.memory_space<vmem>>
    %dma_wait3A_253 = arith.constant 0 : i32
    %dma_wait3A_254 = tpu.memref_slice %arg9[%dma_wait3A_250, %dma_wait3A_253] : memref<26x128xi32, #tpu.memory_space<vmem>> -> memref<1x128xi32, #tpu.memory_space<vmem>>
    %dma_wait3A_255 = tpu.memref_squeeze %dma_wait3A_254 : memref<1x128xi32, #tpu.memory_space<vmem>> -> memref<128xi32, #tpu.memory_space<vmem>>
    %dma_wait3A_256 = arith.constant 0 : i32
    %dma_wait3A_257 = tpu.memref_slice %arg3[%dma_wait3A_256] : memref<2600000xf32, #tpu.memory_space<hbm>> -> memref<2600000xf32, #tpu.memory_space<hbm>>
    tpu.wait_indirect_dma semaphore(%arg13 : memref<!tpu.dma_semaphore, #tpu.memory_space<semaphore_mem>>) src(%dma_wait3A_257 : memref<2600000xf32, #tpu.memory_space<hbm>>) dst(%dma_wait3A_252 : memref<128xf32, #tpu.memory_space<vmem>>)
    %dma_wait3A_258 = arith.constant 5 : i32
    %dma_wait3A_259 = arith.constant 640 : i32
    %dma_wait3A_260 = tpu.memref_slice %arg11[%dma_wait3A_259] : memref<3328xf32, #tpu.memory_space<vmem>> -> memref<128xf32, #tpu.memory_space<vmem>>
    %dma_wait3A_261 = arith.constant 0 : i32
    %dma_wait3A_262 = tpu.memref_slice %arg9[%dma_wait3A_258, %dma_wait3A_261] : memref<26x128xi32, #tpu.memory_space<vmem>> -> memref<1x128xi32, #tpu.memory_space<vmem>>
    %dma_wait3A_263 = tpu.memref_squeeze %dma_wait3A_262 : memref<1x128xi32, #tpu.memory_space<vmem>> -> memref<128xi32, #tpu.memory_space<vmem>>
    %dma_wait3A_264 = arith.constant 0 : i32
    %dma_wait3A_265 = tpu.memref_slice %arg3[%dma_wait3A_264] : memref<2600000xf32, #tpu.memory_space<hbm>> -> memref<2600000xf32, #tpu.memory_space<hbm>>
    tpu.wait_indirect_dma semaphore(%arg13 : memref<!tpu.dma_semaphore, #tpu.memory_space<semaphore_mem>>) src(%dma_wait3A_265 : memref<2600000xf32, #tpu.memory_space<hbm>>) dst(%dma_wait3A_260 : memref<128xf32, #tpu.memory_space<vmem>>)
    %dma_wait3A_266 = arith.constant 6 : i32
    %dma_wait3A_267 = arith.constant 768 : i32
    %dma_wait3A_268 = tpu.memref_slice %arg11[%dma_wait3A_267] : memref<3328xf32, #tpu.memory_space<vmem>> -> memref<128xf32, #tpu.memory_space<vmem>>
    %dma_wait3A_269 = arith.constant 0 : i32
    %dma_wait3A_270 = tpu.memref_slice %arg9[%dma_wait3A_266, %dma_wait3A_269] : memref<26x128xi32, #tpu.memory_space<vmem>> -> memref<1x128xi32, #tpu.memory_space<vmem>>
    %dma_wait3A_271 = tpu.memref_squeeze %dma_wait3A_270 : memref<1x128xi32, #tpu.memory_space<vmem>> -> memref<128xi32, #tpu.memory_space<vmem>>
    %dma_wait3A_272 = arith.constant 0 : i32
    %dma_wait3A_273 = tpu.memref_slice %arg3[%dma_wait3A_272] : memref<2600000xf32, #tpu.memory_space<hbm>> -> memref<2600000xf32, #tpu.memory_space<hbm>>
    tpu.wait_indirect_dma semaphore(%arg13 : memref<!tpu.dma_semaphore, #tpu.memory_space<semaphore_mem>>) src(%dma_wait3A_273 : memref<2600000xf32, #tpu.memory_space<hbm>>) dst(%dma_wait3A_268 : memref<128xf32, #tpu.memory_space<vmem>>)
    %dma_wait3A_274 = arith.constant 7 : i32
    %dma_wait3A_275 = arith.constant 896 : i32
    %dma_wait3A_276 = tpu.memref_slice %arg11[%dma_wait3A_275] : memref<3328xf32, #tpu.memory_space<vmem>> -> memref<128xf32, #tpu.memory_space<vmem>>
    %dma_wait3A_277 = arith.constant 0 : i32
    %dma_wait3A_278 = tpu.memref_slice %arg9[%dma_wait3A_274, %dma_wait3A_277] : memref<26x128xi32, #tpu.memory_space<vmem>> -> memref<1x128xi32, #tpu.memory_space<vmem>>
    %dma_wait3A_279 = tpu.memref_squeeze %dma_wait3A_278 : memref<1x128xi32, #tpu.memory_space<vmem>> -> memref<128xi32, #tpu.memory_space<vmem>>
    %dma_wait3A_280 = arith.constant 0 : i32
    %dma_wait3A_281 = tpu.memref_slice %arg3[%dma_wait3A_280] : memref<2600000xf32, #tpu.memory_space<hbm>> -> memref<2600000xf32, #tpu.memory_space<hbm>>
    tpu.wait_indirect_dma semaphore(%arg13 : memref<!tpu.dma_semaphore, #tpu.memory_space<semaphore_mem>>) src(%dma_wait3A_281 : memref<2600000xf32, #tpu.memory_space<hbm>>) dst(%dma_wait3A_276 : memref<128xf32, #tpu.memory_space<vmem>>)
    %dma_wait3A_282 = arith.constant 8 : i32
    %dma_wait3A_283 = arith.constant 1024 : i32
    %dma_wait3A_284 = tpu.memref_slice %arg11[%dma_wait3A_283] : memref<3328xf32, #tpu.memory_space<vmem>> -> memref<128xf32, #tpu.memory_space<vmem>>
    %dma_wait3A_285 = arith.constant 0 : i32
    %dma_wait3A_286 = tpu.memref_slice %arg9[%dma_wait3A_282, %dma_wait3A_285] : memref<26x128xi32, #tpu.memory_space<vmem>> -> memref<1x128xi32, #tpu.memory_space<vmem>>
    %dma_wait3A_287 = tpu.memref_squeeze %dma_wait3A_286 : memref<1x128xi32, #tpu.memory_space<vmem>> -> memref<128xi32, #tpu.memory_space<vmem>>
    %dma_wait3A_288 = arith.constant 0 : i32
    %dma_wait3A_289 = tpu.memref_slice %arg3[%dma_wait3A_288] : memref<2600000xf32, #tpu.memory_space<hbm>> -> memref<2600000xf32, #tpu.memory_space<hbm>>
    tpu.wait_indirect_dma semaphore(%arg13 : memref<!tpu.dma_semaphore, #tpu.memory_space<semaphore_mem>>) src(%dma_wait3A_289 : memref<2600000xf32, #tpu.memory_space<hbm>>) dst(%dma_wait3A_284 : memref<128xf32, #tpu.memory_space<vmem>>)
    %dma_wait3A_290 = arith.constant 9 : i32
    %dma_wait3A_291 = arith.constant 1152 : i32
    %dma_wait3A_292 = tpu.memref_slice %arg11[%dma_wait3A_291] : memref<3328xf32, #tpu.memory_space<vmem>> -> memref<128xf32, #tpu.memory_space<vmem>>
    %dma_wait3A_293 = arith.constant 0 : i32
    %dma_wait3A_294 = tpu.memref_slice %arg9[%dma_wait3A_290, %dma_wait3A_293] : memref<26x128xi32, #tpu.memory_space<vmem>> -> memref<1x128xi32, #tpu.memory_space<vmem>>
    %dma_wait3A_295 = tpu.memref_squeeze %dma_wait3A_294 : memref<1x128xi32, #tpu.memory_space<vmem>> -> memref<128xi32, #tpu.memory_space<vmem>>
    %dma_wait3A_296 = arith.constant 0 : i32
    %dma_wait3A_297 = tpu.memref_slice %arg3[%dma_wait3A_296] : memref<2600000xf32, #tpu.memory_space<hbm>> -> memref<2600000xf32, #tpu.memory_space<hbm>>
    tpu.wait_indirect_dma semaphore(%arg13 : memref<!tpu.dma_semaphore, #tpu.memory_space<semaphore_mem>>) src(%dma_wait3A_297 : memref<2600000xf32, #tpu.memory_space<hbm>>) dst(%dma_wait3A_292 : memref<128xf32, #tpu.memory_space<vmem>>)
    %dma_wait3A_298 = arith.constant 10 : i32
    %dma_wait3A_299 = arith.constant 1280 : i32
    %dma_wait3A_300 = tpu.memref_slice %arg11[%dma_wait3A_299] : memref<3328xf32, #tpu.memory_space<vmem>> -> memref<128xf32, #tpu.memory_space<vmem>>
    %dma_wait3A_301 = arith.constant 0 : i32
    %dma_wait3A_302 = tpu.memref_slice %arg9[%dma_wait3A_298, %dma_wait3A_301] : memref<26x128xi32, #tpu.memory_space<vmem>> -> memref<1x128xi32, #tpu.memory_space<vmem>>
    %dma_wait3A_303 = tpu.memref_squeeze %dma_wait3A_302 : memref<1x128xi32, #tpu.memory_space<vmem>> -> memref<128xi32, #tpu.memory_space<vmem>>
    %dma_wait3A_304 = arith.constant 0 : i32
    %dma_wait3A_305 = tpu.memref_slice %arg3[%dma_wait3A_304] : memref<2600000xf32, #tpu.memory_space<hbm>> -> memref<2600000xf32, #tpu.memory_space<hbm>>
    tpu.wait_indirect_dma semaphore(%arg13 : memref<!tpu.dma_semaphore, #tpu.memory_space<semaphore_mem>>) src(%dma_wait3A_305 : memref<2600000xf32, #tpu.memory_space<hbm>>) dst(%dma_wait3A_300 : memref<128xf32, #tpu.memory_space<vmem>>)
    %dma_wait3A_306 = arith.constant 11 : i32
    %dma_wait3A_307 = arith.constant 1408 : i32
    %dma_wait3A_308 = tpu.memref_slice %arg11[%dma_wait3A_307] : memref<3328xf32, #tpu.memory_space<vmem>> -> memref<128xf32, #tpu.memory_space<vmem>>
    %dma_wait3A_309 = arith.constant 0 : i32
    %dma_wait3A_310 = tpu.memref_slice %arg9[%dma_wait3A_306, %dma_wait3A_309] : memref<26x128xi32, #tpu.memory_space<vmem>> -> memref<1x128xi32, #tpu.memory_space<vmem>>
    %dma_wait3A_311 = tpu.memref_squeeze %dma_wait3A_310 : memref<1x128xi32, #tpu.memory_space<vmem>> -> memref<128xi32, #tpu.memory_space<vmem>>
    %dma_wait3A_312 = arith.constant 0 : i32
    %dma_wait3A_313 = tpu.memref_slice %arg3[%dma_wait3A_312] : memref<2600000xf32, #tpu.memory_space<hbm>> -> memref<2600000xf32, #tpu.memory_space<hbm>>
    tpu.wait_indirect_dma semaphore(%arg13 : memref<!tpu.dma_semaphore, #tpu.memory_space<semaphore_mem>>) src(%dma_wait3A_313 : memref<2600000xf32, #tpu.memory_space<hbm>>) dst(%dma_wait3A_308 : memref<128xf32, #tpu.memory_space<vmem>>)
    %dma_wait3A_314 = arith.constant 12 : i32
    %dma_wait3A_315 = arith.constant 1536 : i32
    %dma_wait3A_316 = tpu.memref_slice %arg11[%dma_wait3A_315] : memref<3328xf32, #tpu.memory_space<vmem>> -> memref<128xf32, #tpu.memory_space<vmem>>
    %dma_wait3A_317 = arith.constant 0 : i32
    %dma_wait3A_318 = tpu.memref_slice %arg9[%dma_wait3A_314, %dma_wait3A_317] : memref<26x128xi32, #tpu.memory_space<vmem>> -> memref<1x128xi32, #tpu.memory_space<vmem>>
    %dma_wait3A_319 = tpu.memref_squeeze %dma_wait3A_318 : memref<1x128xi32, #tpu.memory_space<vmem>> -> memref<128xi32, #tpu.memory_space<vmem>>
    %dma_wait3A_320 = arith.constant 0 : i32
    %dma_wait3A_321 = tpu.memref_slice %arg3[%dma_wait3A_320] : memref<2600000xf32, #tpu.memory_space<hbm>> -> memref<2600000xf32, #tpu.memory_space<hbm>>
    tpu.wait_indirect_dma semaphore(%arg13 : memref<!tpu.dma_semaphore, #tpu.memory_space<semaphore_mem>>) src(%dma_wait3A_321 : memref<2600000xf32, #tpu.memory_space<hbm>>) dst(%dma_wait3A_316 : memref<128xf32, #tpu.memory_space<vmem>>)
    %dma_wait3A_322 = arith.constant 13 : i32
    %dma_wait3A_323 = arith.constant 1664 : i32
    %dma_wait3A_324 = tpu.memref_slice %arg11[%dma_wait3A_323] : memref<3328xf32, #tpu.memory_space<vmem>> -> memref<128xf32, #tpu.memory_space<vmem>>
    %dma_wait3A_325 = arith.constant 0 : i32
    %dma_wait3A_326 = tpu.memref_slice %arg9[%dma_wait3A_322, %dma_wait3A_325] : memref<26x128xi32, #tpu.memory_space<vmem>> -> memref<1x128xi32, #tpu.memory_space<vmem>>
    %dma_wait3A_327 = tpu.memref_squeeze %dma_wait3A_326 : memref<1x128xi32, #tpu.memory_space<vmem>> -> memref<128xi32, #tpu.memory_space<vmem>>
    %dma_wait3A_328 = arith.constant 0 : i32
    %dma_wait3A_329 = tpu.memref_slice %arg3[%dma_wait3A_328] : memref<2600000xf32, #tpu.memory_space<hbm>> -> memref<2600000xf32, #tpu.memory_space<hbm>>
    tpu.wait_indirect_dma semaphore(%arg13 : memref<!tpu.dma_semaphore, #tpu.memory_space<semaphore_mem>>) src(%dma_wait3A_329 : memref<2600000xf32, #tpu.memory_space<hbm>>) dst(%dma_wait3A_324 : memref<128xf32, #tpu.memory_space<vmem>>)
    %dma_wait3A_330 = arith.constant 14 : i32
    %dma_wait3A_331 = arith.constant 1792 : i32
    %dma_wait3A_332 = tpu.memref_slice %arg11[%dma_wait3A_331] : memref<3328xf32, #tpu.memory_space<vmem>> -> memref<128xf32, #tpu.memory_space<vmem>>
    %dma_wait3A_333 = arith.constant 0 : i32
    %dma_wait3A_334 = tpu.memref_slice %arg9[%dma_wait3A_330, %dma_wait3A_333] : memref<26x128xi32, #tpu.memory_space<vmem>> -> memref<1x128xi32, #tpu.memory_space<vmem>>
    %dma_wait3A_335 = tpu.memref_squeeze %dma_wait3A_334 : memref<1x128xi32, #tpu.memory_space<vmem>> -> memref<128xi32, #tpu.memory_space<vmem>>
    %dma_wait3A_336 = arith.constant 0 : i32
    %dma_wait3A_337 = tpu.memref_slice %arg3[%dma_wait3A_336] : memref<2600000xf32, #tpu.memory_space<hbm>> -> memref<2600000xf32, #tpu.memory_space<hbm>>
    tpu.wait_indirect_dma semaphore(%arg13 : memref<!tpu.dma_semaphore, #tpu.memory_space<semaphore_mem>>) src(%dma_wait3A_337 : memref<2600000xf32, #tpu.memory_space<hbm>>) dst(%dma_wait3A_332 : memref<128xf32, #tpu.memory_space<vmem>>)
    %dma_wait3A_338 = arith.constant 15 : i32
    %dma_wait3A_339 = arith.constant 1920 : i32
    %dma_wait3A_340 = tpu.memref_slice %arg11[%dma_wait3A_339] : memref<3328xf32, #tpu.memory_space<vmem>> -> memref<128xf32, #tpu.memory_space<vmem>>
    %dma_wait3A_341 = arith.constant 0 : i32
    %dma_wait3A_342 = tpu.memref_slice %arg9[%dma_wait3A_338, %dma_wait3A_341] : memref<26x128xi32, #tpu.memory_space<vmem>> -> memref<1x128xi32, #tpu.memory_space<vmem>>
    %dma_wait3A_343 = tpu.memref_squeeze %dma_wait3A_342 : memref<1x128xi32, #tpu.memory_space<vmem>> -> memref<128xi32, #tpu.memory_space<vmem>>
    %dma_wait3A_344 = arith.constant 0 : i32
    %dma_wait3A_345 = tpu.memref_slice %arg3[%dma_wait3A_344] : memref<2600000xf32, #tpu.memory_space<hbm>> -> memref<2600000xf32, #tpu.memory_space<hbm>>
    tpu.wait_indirect_dma semaphore(%arg13 : memref<!tpu.dma_semaphore, #tpu.memory_space<semaphore_mem>>) src(%dma_wait3A_345 : memref<2600000xf32, #tpu.memory_space<hbm>>) dst(%dma_wait3A_340 : memref<128xf32, #tpu.memory_space<vmem>>)
    %dma_wait3A_346 = arith.constant 16 : i32
    %dma_wait3A_347 = arith.constant 2048 : i32
    %dma_wait3A_348 = tpu.memref_slice %arg11[%dma_wait3A_347] : memref<3328xf32, #tpu.memory_space<vmem>> -> memref<128xf32, #tpu.memory_space<vmem>>
    %dma_wait3A_349 = arith.constant 0 : i32
    %dma_wait3A_350 = tpu.memref_slice %arg9[%dma_wait3A_346, %dma_wait3A_349] : memref<26x128xi32, #tpu.memory_space<vmem>> -> memref<1x128xi32, #tpu.memory_space<vmem>>
    %dma_wait3A_351 = tpu.memref_squeeze %dma_wait3A_350 : memref<1x128xi32, #tpu.memory_space<vmem>> -> memref<128xi32, #tpu.memory_space<vmem>>
    %dma_wait3A_352 = arith.constant 0 : i32
    %dma_wait3A_353 = tpu.memref_slice %arg3[%dma_wait3A_352] : memref<2600000xf32, #tpu.memory_space<hbm>> -> memref<2600000xf32, #tpu.memory_space<hbm>>
    tpu.wait_indirect_dma semaphore(%arg13 : memref<!tpu.dma_semaphore, #tpu.memory_space<semaphore_mem>>) src(%dma_wait3A_353 : memref<2600000xf32, #tpu.memory_space<hbm>>) dst(%dma_wait3A_348 : memref<128xf32, #tpu.memory_space<vmem>>)
    %dma_wait3A_354 = arith.constant 17 : i32
    %dma_wait3A_355 = arith.constant 2176 : i32
    %dma_wait3A_356 = tpu.memref_slice %arg11[%dma_wait3A_355] : memref<3328xf32, #tpu.memory_space<vmem>> -> memref<128xf32, #tpu.memory_space<vmem>>
    %dma_wait3A_357 = arith.constant 0 : i32
    %dma_wait3A_358 = tpu.memref_slice %arg9[%dma_wait3A_354, %dma_wait3A_357] : memref<26x128xi32, #tpu.memory_space<vmem>> -> memref<1x128xi32, #tpu.memory_space<vmem>>
    %dma_wait3A_359 = tpu.memref_squeeze %dma_wait3A_358 : memref<1x128xi32, #tpu.memory_space<vmem>> -> memref<128xi32, #tpu.memory_space<vmem>>
    %dma_wait3A_360 = arith.constant 0 : i32
    %dma_wait3A_361 = tpu.memref_slice %arg3[%dma_wait3A_360] : memref<2600000xf32, #tpu.memory_space<hbm>> -> memref<2600000xf32, #tpu.memory_space<hbm>>
    tpu.wait_indirect_dma semaphore(%arg13 : memref<!tpu.dma_semaphore, #tpu.memory_space<semaphore_mem>>) src(%dma_wait3A_361 : memref<2600000xf32, #tpu.memory_space<hbm>>) dst(%dma_wait3A_356 : memref<128xf32, #tpu.memory_space<vmem>>)
    %dma_wait3A_362 = arith.constant 18 : i32
    %dma_wait3A_363 = arith.constant 2304 : i32
    %dma_wait3A_364 = tpu.memref_slice %arg11[%dma_wait3A_363] : memref<3328xf32, #tpu.memory_space<vmem>> -> memref<128xf32, #tpu.memory_space<vmem>>
    %dma_wait3A_365 = arith.constant 0 : i32
    %dma_wait3A_366 = tpu.memref_slice %arg9[%dma_wait3A_362, %dma_wait3A_365] : memref<26x128xi32, #tpu.memory_space<vmem>> -> memref<1x128xi32, #tpu.memory_space<vmem>>
    %dma_wait3A_367 = tpu.memref_squeeze %dma_wait3A_366 : memref<1x128xi32, #tpu.memory_space<vmem>> -> memref<128xi32, #tpu.memory_space<vmem>>
    %dma_wait3A_368 = arith.constant 0 : i32
    %dma_wait3A_369 = tpu.memref_slice %arg3[%dma_wait3A_368] : memref<2600000xf32, #tpu.memory_space<hbm>> -> memref<2600000xf32, #tpu.memory_space<hbm>>
    tpu.wait_indirect_dma semaphore(%arg13 : memref<!tpu.dma_semaphore, #tpu.memory_space<semaphore_mem>>) src(%dma_wait3A_369 : memref<2600000xf32, #tpu.memory_space<hbm>>) dst(%dma_wait3A_364 : memref<128xf32, #tpu.memory_space<vmem>>)
    %dma_wait3A_370 = arith.constant 19 : i32
    %dma_wait3A_371 = arith.constant 2432 : i32
    %dma_wait3A_372 = tpu.memref_slice %arg11[%dma_wait3A_371] : memref<3328xf32, #tpu.memory_space<vmem>> -> memref<128xf32, #tpu.memory_space<vmem>>
    %dma_wait3A_373 = arith.constant 0 : i32
    %dma_wait3A_374 = tpu.memref_slice %arg9[%dma_wait3A_370, %dma_wait3A_373] : memref<26x128xi32, #tpu.memory_space<vmem>> -> memref<1x128xi32, #tpu.memory_space<vmem>>
    %dma_wait3A_375 = tpu.memref_squeeze %dma_wait3A_374 : memref<1x128xi32, #tpu.memory_space<vmem>> -> memref<128xi32, #tpu.memory_space<vmem>>
    %dma_wait3A_376 = arith.constant 0 : i32
    %dma_wait3A_377 = tpu.memref_slice %arg3[%dma_wait3A_376] : memref<2600000xf32, #tpu.memory_space<hbm>> -> memref<2600000xf32, #tpu.memory_space<hbm>>
    tpu.wait_indirect_dma semaphore(%arg13 : memref<!tpu.dma_semaphore, #tpu.memory_space<semaphore_mem>>) src(%dma_wait3A_377 : memref<2600000xf32, #tpu.memory_space<hbm>>) dst(%dma_wait3A_372 : memref<128xf32, #tpu.memory_space<vmem>>)
    %dma_wait3A_378 = arith.constant 20 : i32
    %dma_wait3A_379 = arith.constant 2560 : i32
    %dma_wait3A_380 = tpu.memref_slice %arg11[%dma_wait3A_379] : memref<3328xf32, #tpu.memory_space<vmem>> -> memref<128xf32, #tpu.memory_space<vmem>>
    %dma_wait3A_381 = arith.constant 0 : i32
    %dma_wait3A_382 = tpu.memref_slice %arg9[%dma_wait3A_378, %dma_wait3A_381] : memref<26x128xi32, #tpu.memory_space<vmem>> -> memref<1x128xi32, #tpu.memory_space<vmem>>
    %dma_wait3A_383 = tpu.memref_squeeze %dma_wait3A_382 : memref<1x128xi32, #tpu.memory_space<vmem>> -> memref<128xi32, #tpu.memory_space<vmem>>
    %dma_wait3A_384 = arith.constant 0 : i32
    %dma_wait3A_385 = tpu.memref_slice %arg3[%dma_wait3A_384] : memref<2600000xf32, #tpu.memory_space<hbm>> -> memref<2600000xf32, #tpu.memory_space<hbm>>
    tpu.wait_indirect_dma semaphore(%arg13 : memref<!tpu.dma_semaphore, #tpu.memory_space<semaphore_mem>>) src(%dma_wait3A_385 : memref<2600000xf32, #tpu.memory_space<hbm>>) dst(%dma_wait3A_380 : memref<128xf32, #tpu.memory_space<vmem>>)
    %dma_wait3A_386 = arith.constant 21 : i32
    %dma_wait3A_387 = arith.constant 2688 : i32
    %dma_wait3A_388 = tpu.memref_slice %arg11[%dma_wait3A_387] : memref<3328xf32, #tpu.memory_space<vmem>> -> memref<128xf32, #tpu.memory_space<vmem>>
    %dma_wait3A_389 = arith.constant 0 : i32
    %dma_wait3A_390 = tpu.memref_slice %arg9[%dma_wait3A_386, %dma_wait3A_389] : memref<26x128xi32, #tpu.memory_space<vmem>> -> memref<1x128xi32, #tpu.memory_space<vmem>>
    %dma_wait3A_391 = tpu.memref_squeeze %dma_wait3A_390 : memref<1x128xi32, #tpu.memory_space<vmem>> -> memref<128xi32, #tpu.memory_space<vmem>>
    %dma_wait3A_392 = arith.constant 0 : i32
    %dma_wait3A_393 = tpu.memref_slice %arg3[%dma_wait3A_392] : memref<2600000xf32, #tpu.memory_space<hbm>> -> memref<2600000xf32, #tpu.memory_space<hbm>>
    tpu.wait_indirect_dma semaphore(%arg13 : memref<!tpu.dma_semaphore, #tpu.memory_space<semaphore_mem>>) src(%dma_wait3A_393 : memref<2600000xf32, #tpu.memory_space<hbm>>) dst(%dma_wait3A_388 : memref<128xf32, #tpu.memory_space<vmem>>)
    %dma_wait3A_394 = arith.constant 22 : i32
    %dma_wait3A_395 = arith.constant 2816 : i32
    %dma_wait3A_396 = tpu.memref_slice %arg11[%dma_wait3A_395] : memref<3328xf32, #tpu.memory_space<vmem>> -> memref<128xf32, #tpu.memory_space<vmem>>
    %dma_wait3A_397 = arith.constant 0 : i32
    %dma_wait3A_398 = tpu.memref_slice %arg9[%dma_wait3A_394, %dma_wait3A_397] : memref<26x128xi32, #tpu.memory_space<vmem>> -> memref<1x128xi32, #tpu.memory_space<vmem>>
    %dma_wait3A_399 = tpu.memref_squeeze %dma_wait3A_398 : memref<1x128xi32, #tpu.memory_space<vmem>> -> memref<128xi32, #tpu.memory_space<vmem>>
    %dma_wait3A_400 = arith.constant 0 : i32
    %dma_wait3A_401 = tpu.memref_slice %arg3[%dma_wait3A_400] : memref<2600000xf32, #tpu.memory_space<hbm>> -> memref<2600000xf32, #tpu.memory_space<hbm>>
    tpu.wait_indirect_dma semaphore(%arg13 : memref<!tpu.dma_semaphore, #tpu.memory_space<semaphore_mem>>) src(%dma_wait3A_401 : memref<2600000xf32, #tpu.memory_space<hbm>>) dst(%dma_wait3A_396 : memref<128xf32, #tpu.memory_space<vmem>>)
    %dma_wait3A_402 = arith.constant 23 : i32
    %dma_wait3A_403 = arith.constant 2944 : i32
    %dma_wait3A_404 = tpu.memref_slice %arg11[%dma_wait3A_403] : memref<3328xf32, #tpu.memory_space<vmem>> -> memref<128xf32, #tpu.memory_space<vmem>>
    %dma_wait3A_405 = arith.constant 0 : i32
    %dma_wait3A_406 = tpu.memref_slice %arg9[%dma_wait3A_402, %dma_wait3A_405] : memref<26x128xi32, #tpu.memory_space<vmem>> -> memref<1x128xi32, #tpu.memory_space<vmem>>
    %dma_wait3A_407 = tpu.memref_squeeze %dma_wait3A_406 : memref<1x128xi32, #tpu.memory_space<vmem>> -> memref<128xi32, #tpu.memory_space<vmem>>
    %dma_wait3A_408 = arith.constant 0 : i32
    %dma_wait3A_409 = tpu.memref_slice %arg3[%dma_wait3A_408] : memref<2600000xf32, #tpu.memory_space<hbm>> -> memref<2600000xf32, #tpu.memory_space<hbm>>
    tpu.wait_indirect_dma semaphore(%arg13 : memref<!tpu.dma_semaphore, #tpu.memory_space<semaphore_mem>>) src(%dma_wait3A_409 : memref<2600000xf32, #tpu.memory_space<hbm>>) dst(%dma_wait3A_404 : memref<128xf32, #tpu.memory_space<vmem>>)
    %dma_wait3A_410 = arith.constant 24 : i32
    %dma_wait3A_411 = arith.constant 3072 : i32
    %dma_wait3A_412 = tpu.memref_slice %arg11[%dma_wait3A_411] : memref<3328xf32, #tpu.memory_space<vmem>> -> memref<128xf32, #tpu.memory_space<vmem>>
    %dma_wait3A_413 = arith.constant 0 : i32
    %dma_wait3A_414 = tpu.memref_slice %arg9[%dma_wait3A_410, %dma_wait3A_413] : memref<26x128xi32, #tpu.memory_space<vmem>> -> memref<1x128xi32, #tpu.memory_space<vmem>>
    %dma_wait3A_415 = tpu.memref_squeeze %dma_wait3A_414 : memref<1x128xi32, #tpu.memory_space<vmem>> -> memref<128xi32, #tpu.memory_space<vmem>>
    %dma_wait3A_416 = arith.constant 0 : i32
    %dma_wait3A_417 = tpu.memref_slice %arg3[%dma_wait3A_416] : memref<2600000xf32, #tpu.memory_space<hbm>> -> memref<2600000xf32, #tpu.memory_space<hbm>>
    tpu.wait_indirect_dma semaphore(%arg13 : memref<!tpu.dma_semaphore, #tpu.memory_space<semaphore_mem>>) src(%dma_wait3A_417 : memref<2600000xf32, #tpu.memory_space<hbm>>) dst(%dma_wait3A_412 : memref<128xf32, #tpu.memory_space<vmem>>)
    %dma_wait3A_418 = arith.constant 25 : i32
    %dma_wait3A_419 = arith.constant 3200 : i32
    %dma_wait3A_420 = tpu.memref_slice %arg11[%dma_wait3A_419] : memref<3328xf32, #tpu.memory_space<vmem>> -> memref<128xf32, #tpu.memory_space<vmem>>
    %dma_wait3A_421 = arith.constant 0 : i32
    %dma_wait3A_422 = tpu.memref_slice %arg9[%dma_wait3A_418, %dma_wait3A_421] : memref<26x128xi32, #tpu.memory_space<vmem>> -> memref<1x128xi32, #tpu.memory_space<vmem>>
    %dma_wait3A_423 = tpu.memref_squeeze %dma_wait3A_422 : memref<1x128xi32, #tpu.memory_space<vmem>> -> memref<128xi32, #tpu.memory_space<vmem>>
    %dma_wait3A_424 = arith.constant 0 : i32
    %dma_wait3A_425 = tpu.memref_slice %arg3[%dma_wait3A_424] : memref<2600000xf32, #tpu.memory_space<hbm>> -> memref<2600000xf32, #tpu.memory_space<hbm>>
    tpu.wait_indirect_dma semaphore(%arg13 : memref<!tpu.dma_semaphore, #tpu.memory_space<semaphore_mem>>) src(%dma_wait3A_425 : memref<2600000xf32, #tpu.memory_space<hbm>>) dst(%dma_wait3A_420 : memref<128xf32, #tpu.memory_space<vmem>>)
    %mul3A_426 = arith.constant 16 : i32
    %mul3A_427 = arith.muli %mul3A_2, %mul3A_426 : i32
    "tpu.region"() ({
      %run_scoped3A = tpu.sem_alloc : memref<!tpu.dma_semaphore, #tpu.memory_space<semaphore_mem>>
      %dma_start3A_428 = tpu.memref_slice %arg6[%mul3A_427] : memref<1703936xf32, #tpu.memory_space<hbm>> -> memref<53248xf32, #tpu.memory_space<hbm>>
      %dma_start3A_429 = tpu.memref_slice %arg6[%mul3A_427] : memref<1703936xf32, #tpu.memory_space<hbm>> -> memref<53248xf32, #tpu.memory_space<hbm>>
      tpu.enqueue_dma source(%arg10 : memref<53248xf32, #tpu.memory_space<vmem>>) target(%dma_start3A_429 : memref<53248xf32, #tpu.memory_space<hbm>>) target_semaphore(%run_scoped3A : memref<!tpu.dma_semaphore, #tpu.memory_space<semaphore_mem>>)
      %dma_wait3A_430 = tpu.memref_slice %arg6[%mul3A_427] : memref<1703936xf32, #tpu.memory_space<hbm>> -> memref<53248xf32, #tpu.memory_space<hbm>>
      %dma_wait3A_431 = tpu.memref_slice %arg6[%mul3A_427] : memref<1703936xf32, #tpu.memory_space<hbm>> -> memref<53248xf32, #tpu.memory_space<hbm>>
      tpu.wait_dma2 semaphore(%run_scoped3A : memref<!tpu.dma_semaphore, #tpu.memory_space<semaphore_mem>>) src(%arg10 : memref<53248xf32, #tpu.memory_space<vmem>>) dst(%dma_wait3A_431 : memref<53248xf32, #tpu.memory_space<hbm>>)
      tpu.yield
    }) : () -> ()
    "tpu.region"() ({
      %run_scoped3A = tpu.sem_alloc : memref<!tpu.dma_semaphore, #tpu.memory_space<semaphore_mem>>
      %dma_start3A_428 = tpu.memref_slice %arg7[%mul3A_2] : memref<106496xf32, #tpu.memory_space<hbm>> -> memref<3328xf32, #tpu.memory_space<hbm>>
      %dma_start3A_429 = tpu.memref_slice %arg7[%mul3A_2] : memref<106496xf32, #tpu.memory_space<hbm>> -> memref<3328xf32, #tpu.memory_space<hbm>>
      tpu.enqueue_dma source(%arg11 : memref<3328xf32, #tpu.memory_space<vmem>>) target(%dma_start3A_429 : memref<3328xf32, #tpu.memory_space<hbm>>) target_semaphore(%run_scoped3A : memref<!tpu.dma_semaphore, #tpu.memory_space<semaphore_mem>>)
      %dma_wait3A_430 = tpu.memref_slice %arg7[%mul3A_2] : memref<106496xf32, #tpu.memory_space<hbm>> -> memref<3328xf32, #tpu.memory_space<hbm>>
      %dma_wait3A_431 = tpu.memref_slice %arg7[%mul3A_2] : memref<106496xf32, #tpu.memory_space<hbm>> -> memref<3328xf32, #tpu.memory_space<hbm>>
      tpu.wait_dma2 semaphore(%run_scoped3A : memref<!tpu.dma_semaphore, #tpu.memory_space<semaphore_mem>>) src(%arg11 : memref<3328xf32, #tpu.memory_space<vmem>>) dst(%dma_wait3A_431 : memref<3328xf32, #tpu.memory_space<hbm>>)
      tpu.yield
    }) : () -> ()
    return
  }
}

module attributes {stable_mosaic.version = 14 : i64} {
  func.func @_tc_body(%arg0: i32, %arg1: memref<1024x416xf32, #tpu.memory_space<vmem>>, %arg2: memref<1024x26xf32, #tpu.memory_space<vmem>>, %arg3: memref<1024x26xf32, #tpu.memory_space<vmem>>, %arg4: memref<416x32xf32, #tpu.memory_space<vmem>>, %arg5: memref<1x32xf32, #tpu.memory_space<vmem>>, %arg6: memref<32x32xf32, #tpu.memory_space<vmem>>, %arg7: memref<1x32xf32, #tpu.memory_space<vmem>>, %arg8: memref<1x1xf32, #tpu.memory_space<vmem>>, %arg9: memref<1024x1xf32, #tpu.memory_space<vmem>>) attributes {dimension_semantics = [#tpu.dimension_semantics<arbitrary>], iteration_bounds = array<i64: 4>, scalar_prefetch = 0 : i64, scratch_operands = 0 : i64, tpu.core_type = #tpu.core_type<tc>, window_params = [{transform_indices = @transform_0, window_bounds = array<i64: 1024, 416>}, {transform_indices = @transform_1, window_bounds = array<i64: 1024, 26>}, {transform_indices = @transform_2, window_bounds = array<i64: 1024, 26>}, {pipeline_mode = #tpu.pipeline_mode<synchronous>, transform_indices = @transform_3, window_bounds = array<i64: 416, 32>}, {pipeline_mode = #tpu.pipeline_mode<synchronous>, transform_indices = @transform_4, window_bounds = array<i64: 1, 32>}, {pipeline_mode = #tpu.pipeline_mode<synchronous>, transform_indices = @transform_5, window_bounds = array<i64: 32, 32>}, {pipeline_mode = #tpu.pipeline_mode<synchronous>, transform_indices = @transform_6, window_bounds = array<i64: 1, 32>}, {pipeline_mode = #tpu.pipeline_mode<synchronous>, transform_indices = @transform_7, window_bounds = array<i64: 1, 1>}, {transform_indices = @transform_8, window_bounds = array<i64: 1024, 1>}]} {
    %get3A = arith.constant 0 : index
    %get3A_0 = arith.constant 0 : index
    %get3A_1 = vector.load %arg1[%get3A, %get3A_0] : memref<1024x416xf32, #tpu.memory_space<vmem>>, vector<1024x416xf32>
    %get3A_2 = arith.constant 0 : index
    %get3A_3 = arith.constant 0 : index
    %get3A_4 = vector.load %arg3[%get3A_2, %get3A_3] : memref<1024x26xf32, #tpu.memory_space<vmem>>, vector<1024x26xf32>
    %iota3A = tpu.iota {dimensions = array<i32: 1>} : vector<26x416xi32>
    %jit3A = arith.constant 16 : i32
    %div3A = vector.broadcast %jit3A : i32 to vector<26x416xi32>
    %div3A_5 = arith.divsi %iota3A, %div3A : vector<26x416xi32>
    %sign3A = arith.constant 0 : i32
    %sign3A_6 = vector.broadcast %sign3A : i32 to vector<26x416xi32>
    %sign3A_7 = arith.cmpi sgt, %iota3A, %sign3A_6 : vector<26x416xi32>
    %sign3A_8 = arith.extui %sign3A_7 : vector<26x416xi1> to vector<26x416xi32>
    %sign3A_9 = arith.constant 0 : i32
    %sign3A_10 = vector.broadcast %sign3A_9 : i32 to vector<26x416xi32>
    %sign3A_11 = arith.cmpi slt, %iota3A, %sign3A_10 : vector<26x416xi32>
    %sign3A_12 = arith.extui %sign3A_11 : vector<26x416xi1> to vector<26x416xi32>
    %sign3A_13 = arith.subi %sign3A_8, %sign3A_12 : vector<26x416xi32>
    %sign3A_14 = arith.constant 0 : i32
    %sign3A_15 = arith.cmpi sgt, %jit3A, %sign3A_14 : i32
    %sign3A_16 = arith.extui %sign3A_15 : i1 to i32
    %sign3A_17 = arith.constant 0 : i32
    %sign3A_18 = arith.cmpi slt, %jit3A, %sign3A_17 : i32
    %sign3A_19 = arith.extui %sign3A_18 : i1 to i32
    %sign3A_20 = arith.subi %sign3A_16, %sign3A_19 : i32
    %ne3A = vector.broadcast %sign3A_20 : i32 to vector<26x416xi32>
    %ne3A_21 = arith.cmpi ne, %sign3A_13, %ne3A : vector<26x416xi32>
    %rem3A = vector.broadcast %jit3A : i32 to vector<26x416xi32>
    %rem3A_22 = arith.remsi %iota3A, %rem3A : vector<26x416xi32>
    %ne3A_23 = arith.constant 0 : i32
    %ne3A_24 = vector.broadcast %ne3A_23 : i32 to vector<26x416xi32>
    %ne3A_25 = arith.cmpi ne, %rem3A_22, %ne3A_24 : vector<26x416xi32>
    %and3A = arith.andi %ne3A_21, %ne3A_25 : vector<26x416xi1>
    %sub3A = arith.constant 1 : i32
    %sub3A_26 = vector.broadcast %sub3A : i32 to vector<26x416xi32>
    %sub3A_27 = arith.subi %div3A_5, %sub3A_26 : vector<26x416xi32>
    %select_n3A = arith.select %and3A, %sub3A_27, %div3A_5 : vector<26x416xi1>, vector<26x416xi32>
    %iota3A_28 = tpu.iota {dimensions = array<i32: 0>} : vector<26x416xi32>
    %eq3A = arith.cmpi eq, %select_n3A, %iota3A_28 : vector<26x416xi32>
    %convert_element_type3A = arith.extui %eq3A : vector<26x416xi1> to vector<26x416xi32>
    %convert_element_type3A_29 = arith.sitofp %convert_element_type3A : vector<26x416xi32> to vector<26x416xf32>
    %dot_general3A = arith.constant dense<0.000000e+00> : vector<1024x416xf32>
    %dot_general3A_30 = tpu.matmul %get3A_4, %convert_element_type3A_29, %dot_general3A {dimension_numbers = #tpu.dot_dimension_numbers<[1], [0], [0], [1], [0, 0, 1, 1], [], []>, precision = #tpu.contract_precision<fp32>, transpose_lhs_hint = false} : vector<1024x26xf32>, vector<26x416xf32>, vector<1024x416xf32> -> vector<1024x416xf32>
    %mul3A = arith.mulf %get3A_1, %dot_general3A_30 : vector<1024x416xf32>
    %iota3A_31 = tpu.iota {dimensions = array<i32: 0>} : vector<416x16xi32>
    %jit3A_32 = arith.constant 16 : i32
    %eq3A_33 = arith.constant 0 : i32
    %eq3A_34 = arith.cmpi eq, %jit3A_32, %eq3A_33 : i32
    %jit3A_35 = arith.constant 1 : i32
    %select_n3A_36 = arith.select %eq3A_34, %jit3A_35, %jit3A_32 : i32
    %rem3A_37 = vector.broadcast %select_n3A_36 : i32 to vector<416x16xi32>
    %rem3A_38 = arith.remsi %iota3A_31, %rem3A_37 : vector<416x16xi32>
    %ne3A_39 = arith.constant 0 : i32
    %ne3A_40 = vector.broadcast %ne3A_39 : i32 to vector<416x16xi32>
    %ne3A_41 = arith.cmpi ne, %rem3A_38, %ne3A_40 : vector<416x16xi32>
    %lt3A = arith.constant 0 : i32
    %lt3A_42 = vector.broadcast %lt3A : i32 to vector<416x16xi32>
    %lt3A_43 = arith.cmpi slt, %rem3A_38, %lt3A_42 : vector<416x16xi32>
    %lt3A_44 = arith.constant 0 : i32
    %lt3A_45 = arith.cmpi slt, %select_n3A_36, %lt3A_44 : i32
    %ne3A_46 = vector.broadcast %lt3A_45 : i1 to vector<416x16xi1>
    %ne3A_47 = vector.broadcast %ne3A_46 : vector<416x16xi1> to vector<416x16xi1>
    %ne3A_48 = arith.xori %lt3A_43, %ne3A_47 : vector<416x16xi1>
    %and3A_49 = arith.andi %ne3A_48, %ne3A_41 : vector<416x16xi1>
    %add3A = vector.broadcast %select_n3A_36 : i32 to vector<416x16xi32>
    %add3A_50 = arith.addi %rem3A_38, %add3A : vector<416x16xi32>
    %select_n3A_51 = arith.select %and3A_49, %add3A_50, %rem3A_38 : vector<416x16xi1>, vector<416x16xi32>
    %iota3A_52 = tpu.iota {dimensions = array<i32: 1>} : vector<416x16xi32>
    %eq3A_53 = arith.cmpi eq, %select_n3A_51, %iota3A_52 : vector<416x16xi32>
    %convert_element_type3A_54 = arith.extui %eq3A_53 : vector<416x16xi1> to vector<416x16xi32>
    %convert_element_type3A_55 = arith.sitofp %convert_element_type3A_54 : vector<416x16xi32> to vector<416x16xf32>
    %dot_general3A_56 = arith.constant dense<0.000000e+00> : vector<1024x16xf32>
    %dot_general3A_57 = tpu.matmul %mul3A, %convert_element_type3A_55, %dot_general3A_56 {dimension_numbers = #tpu.dot_dimension_numbers<[1], [0], [0], [1], [0, 0, 1, 1], [], []>, precision = #tpu.contract_precision<fp32>, transpose_lhs_hint = false} : vector<1024x416xf32>, vector<416x16xf32>, vector<1024x16xf32> -> vector<1024x16xf32>
    %mul3A_58 = arith.mulf %mul3A, %mul3A : vector<1024x416xf32>
    %dot_general3A_59 = arith.constant dense<0.000000e+00> : vector<1024x16xf32>
    %dot_general3A_60 = tpu.matmul %mul3A_58, %convert_element_type3A_55, %dot_general3A_59 {dimension_numbers = #tpu.dot_dimension_numbers<[1], [0], [0], [1], [0, 0, 1, 1], [], []>, precision = #tpu.contract_precision<fp32>, transpose_lhs_hint = false} : vector<1024x416xf32>, vector<416x16xf32>, vector<1024x16xf32> -> vector<1024x16xf32>
    %mul3A_61 = arith.mulf %dot_general3A_57, %dot_general3A_57 : vector<1024x16xf32>
    %sub3A_62 = arith.subf %mul3A_61, %dot_general3A_60 : vector<1024x16xf32>
    %mul3A_63 = arith.constant 5.000000e-01 : f32
    %mul3A_64 = vector.broadcast %mul3A_63 : f32 to vector<1024x16xf32>
    %mul3A_65 = arith.mulf %mul3A_64, %sub3A_62 : vector<1024x16xf32>
    %get3A_66 = arith.constant 0 : index
    %get3A_67 = arith.constant 0 : index
    %get3A_68 = vector.load %arg4[%get3A_66, %get3A_67] : memref<416x32xf32, #tpu.memory_space<vmem>>, vector<416x32xf32>
    %dot_general3A_69 = arith.constant dense<0.000000e+00> : vector<1024x32xf32>
    %dot_general3A_70 = tpu.matmul %mul3A, %get3A_68, %dot_general3A_69 {dimension_numbers = #tpu.dot_dimension_numbers<[1], [0], [0], [1], [0, 0, 1, 1], [], []>, precision = #tpu.contract_precision<fp32>, transpose_lhs_hint = false} : vector<1024x416xf32>, vector<416x32xf32>, vector<1024x32xf32> -> vector<1024x32xf32>
    %get3A_71 = arith.constant 0 : index
    %get3A_72 = arith.constant 0 : index
    %get3A_73 = vector.load %arg5[%get3A_71, %get3A_72] : memref<1x32xf32, #tpu.memory_space<vmem>>, vector<1x32xf32>
    %add3A_74 = vector.broadcast %get3A_73 : vector<1x32xf32> to vector<1024x32xf32>
    %add3A_75 = arith.addf %dot_general3A_70, %add3A_74 : vector<1024x32xf32>
    %max3A = arith.constant 0.000000e+00 : f32
    %max3A_76 = vector.broadcast %max3A : f32 to vector<1024x32xf32>
    %max3A_77 = arith.maximumf %add3A_75, %max3A_76 : vector<1024x32xf32>
    %get3A_78 = arith.constant 0 : index
    %get3A_79 = arith.constant 0 : index
    %get3A_80 = vector.load %arg6[%get3A_78, %get3A_79] : memref<32x32xf32, #tpu.memory_space<vmem>>, vector<32x32xf32>
    %dot_general3A_81 = arith.constant dense<0.000000e+00> : vector<1024x32xf32>
    %dot_general3A_82 = tpu.matmul %max3A_77, %get3A_80, %dot_general3A_81 {dimension_numbers = #tpu.dot_dimension_numbers<[1], [0], [0], [1], [0, 0, 1, 1], [], []>, precision = #tpu.contract_precision<fp32>, transpose_lhs_hint = false} : vector<1024x32xf32>, vector<32x32xf32>, vector<1024x32xf32> -> vector<1024x32xf32>
    %get3A_83 = arith.constant 0 : index
    %get3A_84 = arith.constant 0 : index
    %get3A_85 = vector.load %arg7[%get3A_83, %get3A_84] : memref<1x32xf32, #tpu.memory_space<vmem>>, vector<1x32xf32>
    %add3A_86 = vector.broadcast %get3A_85 : vector<1x32xf32> to vector<1024x32xf32>
    %add3A_87 = arith.addf %dot_general3A_82, %add3A_86 : vector<1024x32xf32>
    %max3A_88 = arith.constant 0.000000e+00 : f32
    %max3A_89 = vector.broadcast %max3A_88 : f32 to vector<1024x32xf32>
    %max3A_90 = arith.maximumf %add3A_87, %max3A_89 : vector<1024x32xf32>
    %get3A_91 = arith.constant 0 : index
    %get3A_92 = arith.constant 0 : index
    %get3A_93 = vector.load %arg2[%get3A_91, %get3A_92] : memref<1024x26xf32, #tpu.memory_space<vmem>>, vector<1024x26xf32>
    %mul3A_94 = arith.mulf %get3A_93, %get3A_4 : vector<1024x26xf32>
    %reduce_sum3A = arith.constant dense<0.000000e+00> : vector<1024xf32>
    %reduce_sum3A_95 = vector.multi_reduction <add>, %mul3A_94, %reduce_sum3A [1] : vector<1024x26xf32> to vector<1024xf32>
    %broadcast_in_dim3A = vector.shape_cast %reduce_sum3A_95 : vector<1024xf32> to vector<1024x1xf32>
    %reduce_sum3A_96 = arith.constant dense<0.000000e+00> : vector<1024xf32>
    %reduce_sum3A_97 = vector.multi_reduction <add>, %mul3A_65, %reduce_sum3A_96 [1] : vector<1024x16xf32> to vector<1024xf32>
    %broadcast_in_dim3A_98 = vector.shape_cast %reduce_sum3A_97 : vector<1024xf32> to vector<1024x1xf32>
    %add3A_99 = arith.addf %broadcast_in_dim3A, %broadcast_in_dim3A_98 : vector<1024x1xf32>
    %reduce_sum3A_100 = arith.constant dense<0.000000e+00> : vector<1024xf32>
    %reduce_sum3A_101 = vector.multi_reduction <add>, %max3A_90, %reduce_sum3A_100 [1] : vector<1024x32xf32> to vector<1024xf32>
    %broadcast_in_dim3A_102 = vector.shape_cast %reduce_sum3A_101 : vector<1024xf32> to vector<1024x1xf32>
    %add3A_103 = arith.addf %add3A_99, %broadcast_in_dim3A_102 : vector<1024x1xf32>
    %get3A_104 = arith.constant 0 : index
    %get3A_105 = arith.constant 0 : index
    %get3A_106 = vector.load %arg8[%get3A_104, %get3A_105] : memref<1x1xf32, #tpu.memory_space<vmem>>, vector<1x1xf32>
    %add3A_107 = vector.broadcast %get3A_106 : vector<1x1xf32> to vector<1024x1xf32>
    %add3A_108 = arith.addf %add3A_103, %add3A_107 : vector<1024x1xf32>
    %swap3A = arith.constant 0 : index
    %swap3A_109 = arith.constant 0 : index
    %swap3A_110 = vector.load %arg9[%swap3A, %swap3A_109] : memref<1024x1xf32, #tpu.memory_space<vmem>>, vector<1024x1xf32>
    tpu.vector_store %arg9[%swap3A, %swap3A_109], %add3A_108 {strides = array<i32>} : memref<1024x1xf32, #tpu.memory_space<vmem>>, vector<1024x1xf32>,
    return
  }
  func.func @transform_0(%arg0: i32) -> (i32, i32) {
    %c0_i32 = arith.constant 0 : i32
    %c0_i32_0 = arith.constant 0 : i32
    return %arg0, %c0_i32 : i32, i32
  }
  func.func @transform_1(%arg0: i32) -> (i32, i32) {
    %c0_i32 = arith.constant 0 : i32
    %c0_i32_0 = arith.constant 0 : i32
    return %arg0, %c0_i32 : i32, i32
  }
  func.func @transform_2(%arg0: i32) -> (i32, i32) {
    %c0_i32 = arith.constant 0 : i32
    %c0_i32_0 = arith.constant 0 : i32
    return %arg0, %c0_i32 : i32, i32
  }
  func.func @transform_3(%arg0: i32) -> (i32, i32) {
    %c0_i32 = arith.constant 0 : i32
    %c0_i32_0 = arith.constant 0 : i32
    %c0_i32_1 = arith.constant 0 : i32
    return %c0_i32, %c0_i32_0 : i32, i32
  }
  func.func @transform_4(%arg0: i32) -> (i32, i32) {
    %c0_i32 = arith.constant 0 : i32
    %c0_i32_0 = arith.constant 0 : i32
    %c0_i32_1 = arith.constant 0 : i32
    return %c0_i32, %c0_i32_0 : i32, i32
  }
  func.func @transform_5(%arg0: i32) -> (i32, i32) {
    %c0_i32 = arith.constant 0 : i32
    %c0_i32_0 = arith.constant 0 : i32
    %c0_i32_1 = arith.constant 0 : i32
    return %c0_i32, %c0_i32_0 : i32, i32
  }
  func.func @transform_6(%arg0: i32) -> (i32, i32) {
    %c0_i32 = arith.constant 0 : i32
    %c0_i32_0 = arith.constant 0 : i32
    %c0_i32_1 = arith.constant 0 : i32
    return %c0_i32, %c0_i32_0 : i32, i32
  }
  func.func @transform_7(%arg0: i32) -> (i32, i32) {
    %c0_i32 = arith.constant 0 : i32
    %c0_i32_0 = arith.constant 0 : i32
    %c0_i32_1 = arith.constant 0 : i32
    return %c0_i32, %c0_i32_0 : i32, i32
  }
  func.func @transform_8(%arg0: i32) -> (i32, i32) {
    %c0_i32 = arith.constant 0 : i32
    %c0_i32_0 = arith.constant 0 : i32
    return %arg0, %c0_i32 : i32, i32
  }
}

</mosaic_0001>

<sc_bundles>
// kernel: kernel.4.cloned.1.call-start
scs
__scs_entry_jumppad:
0x0: {  	(pc) =	sbr.rel $0x88, $3  }
0x1: {  	(tag) =	ssettag $0x0;
	lr =	simm.s32 $0x1  }
0x2: {  	[smem:$0x3F98] =	sst lr;
	_ =	strace $0xD0000000  }
0x3: {  	_ = 	snop  }
0x4: {  	_ = 	snop  }
0x5: {  	_ = 	snop  }
0x6: {  	_ = 	snop  }
0x7: {  	_ = 	snop  }
__scs_overlays_trampoline_lowered:
0x8: {  	[smem:$0x3FA7] =	sst s0  }
0x9: {  	[smem:$0x3FA8] =	sst s1  }
0xa: {  	[smem:$0x3FA9] =	sst s2  }
0xb: {  	[smem:$0x3FAA] =	sst s3  }
0xc: {  	[smem:$0x3FAB] =	sst s4  }
0xd: {  	[smem:$0x3FAC] =	sst s5  }
0xe: {  	[smem:$0x3FAD] =	sst s6  }
0xf: {  	[smem:$0x3FAE] =	sst s7  }
0x10: {  	[smem:$0x3FAF] =	sst s8  }
0x11: {  	[smem:$0x3FB0] =	sst s9;
	s0 =	simm.s32 @!p0 $0x0  }
0x12: {  	s1 =	sld [smem:$0x3F96];
	s0 =	simm.s32 @p0 $0x1  }
0x13: {  	[smem:$0x3FB1] =	sst s0;
	s0 =	simm.s32 @!p1 $0x0  }
0x14: {  	s2 =	sld [smem:$0x3F95];
	s0 =	simm.s32 @p1 $0x1  }
0x15: {  	[smem:$0x3FB2] =	sst s0;
	s0 =	simm.s32 @!p2 $0x0  }
0x16: {  	s3 =	sld [smem:$0x3FDB];
	s0 =	simm.s32 @p2 $0x1  }
0x17: {  	s4 =	simm.s32 $0x1BF5;
	[smem:$0x3FB4] =	sst s0  }
0x18: {  	s0 =	sld [smem:$0x3F97];
	_ =	swait.ge [sflag:s4], $0x0  }
0x19: {  	s7 =	sld [smem:$0x3F98]  }
0x1a: {  	s8 =	sadd.s32 $0xFFFFE003, lr  }
0x1b: {  	s9 =	sadd.s32 $0xFFFFFEF7, lr;
	s5 =	simm.s32 $0xFFFFFFFF;
	p2 =	slt.u32 s8, $0xFFFFF086  }
0x1c: {  	p1 =	slt.u32 s9, $0xF7A;
	s5 =	simm.s32 @!p2 $0x0  }
0x1d: {  	s5 =	simm.s32 @p1 $0x1;
	p0 =	seq.s32 s7, s2  }
0x1e: {  	s7 =	smul.u32 @!p0 $0xF7A, s2;
	p2 =	seq.s32 @!p0 s5, $0x0  }
0x1f: {  	s9 =	smul.u32 $0xF7A, s1;
	s8 =	simm.s32 @!p0 $0x1BF5;
	p2 =	por !p2, p0  }
0x20: {  	[sflag:s8] =	ssyncset.s32 @!p0 $0xFFFFF086;
	s6 =	sadd.s32 @!p0 s3, s7;
	s7 =	simm.s32 @!p0 $0x108  }
0x21: {  	s3 =	sadd.s32 s3, s9;
	s6 =	sadd.s32 @!p0 $0x88, s6;
	s7 =	simm.s32 @p2 $0x1082  }
0x22: {  	[simem:s7], [sflag:s8] =	dma.local @!p0 [hbm:s6], $0xF7A  }
0x23: {  	s9 =	sor.u32 $0xD0000000, s2;
	s6 =	simm.s32 $0x108;
	_ =	swait.ge @!p0 [sflag:s8], $0x0  }
0x24: {  	s3 =	sadd.s32 $0x88, s3;
	s6 =	simm.s32 @!p1 $0x1082;
	[sflag:s4] =	ssyncset.s32 $0xFFFFF086  }
0x25: {  	[simem:s6], [sflag:s4] =	dma.local [hbm:s3], $0xF7A  }
0x26: {  	[smem:$0x3F98] =	sst s1;
	(tag) =	ssettag s2;
	_ =	strace s9  }
0x27: {  	s1 =	sld [smem:$0x3FA8]  }
0x28: {  	s2 =	sld [smem:$0x3FA9]  }
0x29: {  	s4 =	sld [smem:$0x3FAB]  }
0x2a: {  	p0 =	seq.s32 s5, $0x0;
	s5 =	sld [smem:$0x3FAC]  }
0x2b: {  	s6 =	sld [smem:$0x3FAD]  }
0x2c: {  	s7 =	sld [smem:$0x3FAE]  }
0x2d: {  	s3 =	simm.s32 $0x108;
	s8 =	sld [smem:$0x3FAF]  }
0x2e: {  	s3 =	simm.s32 @!p0 $0x1082;
	s9 =	sld [smem:$0x3FB0]  }
0x2f: {  	lr =	sadd.s32 s0, s3;
	s0 =	sld [smem:$0x3FA7]  }
0x30: {  	s3 =	sld [smem:$0x3FAA]  }
0x31: {  	[smem:$0x3FB3] =	sst s10  }
0x32: {  	s10 =	sld [smem:$0x3FB1];
	_ =	sdelay $0x3  }
0x33: {  	p0 =	seq.s32 s10, $0x1;
	s10 =	sld [smem:$0x3FB3];
	_ =	sdelay $0x3  }
0x34: {  	[smem:$0x3FB3] =	sst s10  }
0x35: {  	s10 =	sld [smem:$0x3FB2];
	_ =	sdelay $0x3  }
0x36: {  	p1 =	seq.s32 s10, $0x1;
	s10 =	sld [smem:$0x3FB3];
	_ =	sdelay $0x3  }
0x37: {  	[smem:$0x3FB3] =	sst s10  }
0x38: {  	s10 =	sld [smem:$0x3FB4]  }
0x39: {  	_ = 	snop;
	(pc) =	sbr.ind lr, $3  }
0x3a: {  	_ = 	snop  }
0x3b: {  	_ = 	snop  }
0x3c: {  	p2 =	seq.s32 s10, $0x1;
	s10 =	sld [smem:$0x3FB3]  }
0x3d: {  	_ =	shalt  }
0x3e: {  	_ =	shalt  }
0x3f: {  	_ =	shalt  }
0x40: {  	_ =	shalt  }
0x41: {  	_ =	shalt  }
0x42: {  	_ =	shalt  }
0x43: {  	_ =	shalt  }
0x44: {  	_ =	shalt  }
0x45: {  	_ =	shalt  }
0x46: {  	_ =	shalt  }
0x47: {  	_ =	shalt  }
0x48: {  	_ =	shalt  }
0x49: {  	_ =	shalt  }
0x4a: {  	_ =	shalt  }
0x4b: {  	_ =	shalt  }
0x4c: {  	_ =	shalt  }
0x4d: {  	_ =	shalt  }
0x4e: {  	_ =	shalt  }
0x4f: {  	_ =	shalt  }
0x50: {  	_ =	shalt  }
0x51: {  	_ =	shalt  }
0x52: {  	_ =	shalt  }
0x53: {  	_ =	shalt  }
0x54: {  	_ =	shalt  }
0x55: {  	_ =	shalt  }
0x56: {  	_ =	shalt  }
0x57: {  	_ =	shalt  }
0x58: {  	_ =	shalt  }
0x59: {  	_ =	shalt  }
0x5a: {  	_ =	shalt  }
0x5b: {  	_ =	shalt  }
0x5c: {  	_ =	shalt  }
0x5d: {  	_ =	shalt  }
0x5e: {  	_ =	shalt  }
0x5f: {  	_ =	shalt  }
0x60: {  	_ =	shalt  }
0x61: {  	_ =	shalt  }
0x62: {  	_ =	shalt  }
0x63: {  	_ =	shalt  }
0x64: {  	_ =	shalt  }
0x65: {  	_ =	shalt  }
0x66: {  	_ =	shalt  }
0x67: {  	_ =	shalt  }
0x68: {  	_ =	shalt  }
0x69: {  	_ =	shalt  }
0x6a: {  	_ =	shalt  }
0x6b: {  	_ =	shalt  }
0x6c: {  	_ =	shalt  }
0x6d: {  	_ =	shalt  }
0x6e: {  	_ =	shalt  }
0x6f: {  	_ =	shalt  }
0x70: {  	_ =	shalt  }
0x71: {  	_ =	shalt  }
0x72: {  	_ =	shalt  }
0x73: {  	_ =	shalt  }
0x74: {  	_ =	shalt  }
0x75: {  	_ =	shalt  }
0x76: {  	_ =	shalt  }
0x77: {  	_ =	shalt  }
0x78: {  	_ =	shalt  }
0x79: {  	_ =	shalt  }
0x7a: {  	_ =	shalt  }
0x7b: {  	_ =	shalt  }
0x7c: {  	_ =	shalt  }
0x7d: {  	_ =	shalt  }
0x7e: {  	_ =	shalt  }
0x7f: {  	_ =	shalt  }
0x80: {  	_ =	shalt  }
0x81: {  	_ =	shalt  }
0x82: {  	_ =	shalt  }
0x83: {  	_ =	shalt  }
0x84: {  	_ =	shalt  }
0x85: {  	_ =	shalt  }
0x86: {  	_ =	shalt  }
0x87: {  	_ =	shalt  }
.Lfunc_end0:
.L_simem_size_0:
called_computation_lowered:
.L_overlay_start_0:
0x88: {  	s2 =	sld [smem:$0x3FD9]  }
0x89: {  	s3 =	sld [smem:$0x3FFE];
	_ =	sdelay $0x1  }
0x8a: {  	s1 =	srdreg.scid  }
0x8b: {  	s0 =	sand.u32 $0x1, s1  }
0x8c: {  	s16 =	sshll.u32 s0, $0xA;
	s2 =	sadd.s32 s3, s2  }
0x8d: {  	s2 =	sadd.s32 s2, s16  }
0x8e: {  	[smem:$0x3FBF] =	sst s2  }
0x8f: {  	_ = 	snop  }
0x90: {  	(tm) =	ssettm $0x1  }
0x91: {  	s17 =	sld [smem:$0x3FFB];
	_ =	sdelay $0x3  }
0x92: {  	_ =	strace s17  }
0x93: {  	s2 =	sld [smem:$0x3FFC];
	_ =	sdelay $0x3  }
0x94: {  	_ =	strace s2  }
0x95: {  	s2 =	sld [smem:$0x3FFD];
	_ =	sdelay $0x3  }
0x96: {  	_ =	strace s2  }
0x97: {  	_ =	strace $0x8FFFFFFF  }
0x98: {  	s18 =	sld [smem:$0x3FDB];
	_ =	sdelay $0x1  }
0x99: {  	s19 =	simm.s32 $_scs_section_size  }
0x9a: {  	s4 =	simm.s32 $_size__tile_overlayer_lowered;
	s5 =	simm.s32 $_tile_overlayer_lowered  }
0x9b: {  	s22 =	simm.s32 $0x1BFF;
	s21 =	sshll.u32 s5, $0x1;
	s2 =	sadd.s32 s19, s18  }
0x9c: {  	s6 =	simm.s32 $0x0;
	s20 =	sshll.u32 s4, $0x1;
	s4 =	sadd.s32 s21, s2  }
0x9d: {  	[timem:s6], [sflag:s22] =	dma.local [hbm:s4], s20  }
0x9e: {  	_ =	swait.ge [sflag:s22], s20  }
0x9f: {  	s3 =	ssub.s32 $0x0, s20;
	[sflag:s22] =	ssyncset.done $0x0  }
0xa0: {  	[sflag:s22] =	ssyncadd.s32 s3;
	_ =	sdelay $0x1  }
0xa1: {  	s23 =	simm.s32 $0x1B8B  }
0xa2: {  	_ =	swait.ge [sflag:s23], $0x1  }
0xa3: {  	[sflag:s23] =	ssyncset.done $0x0  }
0xa4: {  	s25 =	simm.s32 $0x1B8E;
	s24 =	sld [smem:$0x3FFE];
	[sflag:s23] =	ssyncadd.s32 $0xFFFFFFFF  }
0xa5: {  	s26 =	simm.s32 $execute0_lowered;
	[smem:$0x3FD2] =	sst s25  }
0xa6: {  	s4 =	sshll.u32 s26, $0x1;
	_ =	strace $0x80000046;
	[dreg:$0x1] =	wrdreg $0xFFFFFFFF  }
0xa7: {  	s28 =	simm.s32 $_size_execute0_lowered;
	s2 =	sadd.s32 s2, s4;
	[dreg:$0x0] =	wrdreg $0x0  }
0xa8: {  	s4 =	sshll.u32 s28, $0x1;
	[dreg:$0x2] =	wrdreg s2  }
0xa9: {  	[dreg:$0x3] =	wrdreg s4  }
0xaa: {  	[dreg:$0x4] =	wrdreg $0xC0  }
0xab: {  	_ =	task [dreg:s6], $0x5FFFF  }
0xac: {  	[dreg:$0x1] =	wrdreg $0xFFFFFFFF  }
0xad: {  	[dreg:$0x0] =	wrdreg $0x60  }
0xae: {  	[dreg:$0x2] =	wrdreg s24  }
0xaf: {  	[dreg:$0x3] =	wrdreg $0x9  }
0xb0: {  	_ =	task.clear_ibuf [dreg:s6], $0x4FFFF;
	_ =	strace $0x90000046  }
0xb1: {  	s29 =	simm.s32 $0x9;
	_ =	strace $0x80000048  }
0xb2: {  	_ =	swait.ge [sflag:s29], $0x1  }
0xb3: {  	[sflag:s29] =	ssyncadd.s32 $0xFFFFFFFF  }
0xb4: {  	_ =	strace $0x90000048  }
0xb5: {  	_ =	sfence  }
0xb6: {  	s30 =	sld [smem:$0x0];
	_ =	sdelay $0x2  }
0xb7: {  	s31 =	sshll.u32 s1, $0xD;
	s1 =	sshrl.u32 s1, $0x2  }
0xb8: {  	s3 =	sand.u32 $0x4000, s31;
	s1 =	sadd.s32 s1, s30  }
0xb9: {  	s0 =	sor.u32 s3, s0;
	s1 =	sshll.u32 s1, $0x11  }
0xba: {  	s0 =	sor.u32 s1, s0  }
0xbb: {  	s0 =	sadd.s32 $0x8F2B, s0  }
0xbc: {  	[sflag:s0] =	ssyncadd.remote.s32 $0x1  }
0xbd: {  	_ =	sfence.sel $0xFFFF  }
0xbe: {  	[dreg:$0x0] =	wrdreg $0xFFFFFFFF;
	(pc) =	sbr.abs _section_cstart, $3  }
0xbf: {  	[dreg:$0x1] =	wrdreg $0xFFFFFFFF  }
0xc0: {  	_ =	task.clear_ibuf [dreg:s6], $0x2FFFF;
	_ =	strace $0x9FFFFFFF  }
0xc1: {  	(tm) =	ssettm $0x7FFFFFFF  }
tec
execute0_lowered:
.L_overlay_start_1:
0x0: {  	(tag) =	ssettag $0x1  }
0x1: {  	s0 =	srdreg.scid  }
0x2: {  	s2 =	stileid.u32;
	s1 =	rddreg [dreg:$0x0];
	s10 =	simm.s32 $0x3  }
0x3: {  	s11 =	simm.s32 $0xD000;
	s12 =	simm.s32 $0x80;
	s13 =	simm.s32 $0x1AD00  }
0x4: {  	s14 =	simm.s32 $0xDA00;
	s15 =	simm.s32 $0x1B700;
	s16 =	simm.s32 $0xDA80  }
0x5: {  	s17 =	simm.s32 $0x1B780;
	s18 =	simm.s32 $0xDB00;
	s19 =	simm.s32 $0x1B800  }
0x6: {  	s20 =	simm.s32 $0xDB80;
	s21 =	simm.s32 $0x1B880;
	s22 =	simm.s32 $0xDC00  }
0x7: {  	s23 =	simm.s32 $0x1B900;
	s24 =	simm.s32 $0xDC80;
	s25 =	simm.s32 $0x1B980  }
0x8: {  	s26 =	simm.s32 $0x1;
	s28 =	simm.s32 $0x2;
	s29 =	simm.s32 $0xDD00  }
0x9: {  	s30 =	simm.s32 $0x0;
	s0 =	sand.u32 $0x1, s0;
	s3 =	sshll.u32 s2, $0x1  }
0xa: {  	s2 =	simm.s32 $0x0;
	s4 =	sadd.s32 $0x4000, s1;
	s3 =	sor.u32 s0, s3  }
0xb: {  	[smem:$0x7FF] =	sst s2;
	s0 =	ssub.s32 $0x2, s0;
	s5 =	smul.u32 $0x1A00, s3  }
0xc: {  	_ =	strace $0x80000047;
	s6 =	smul.u32 $0x1A0, s3;
	s7 =	sshrl.u32 s0, $0x1  }
0xd: {  	s3 =	sadd.s32 $0x287600, s1;
	s0 =	ssub.s32 s0, s7;
	s8 =	sadd.s32 s5, s1  }
0xe: {  	s1 =	sadd.s32 s6, s1;
	s9 =	smax.u32 s0, $0x1;
	s5 =	sadd.s32 $0x253600, s8  }
0xf: {  	s6 =	sadd.s32 $0xC00, s1;
	s7 =	sadd.s32 $0x53600, s8;
	s8 =	sadd.s32 $0x87600, s1  }
.LBB2_1:
0x10: {  	[tilespmem:s2], [sflag:$0x3] =	stream.linear.gather [hbm4b:s5+s2], $0xD000, $0x38;
	[tilespmem:$0x1BA00] =	vst v63  }
0x11: {  	_ =	swait.ge [sflag:s10], $0xD000  }
0x12: {  	[sflag:s10] =	ssyncset.done $0x0  }
0x13: {  	[sflag:s10] =	ssyncadd.s32 $0xFFFF3000  }
0x14: {  	[tilespmem:s11], [sflag:$0x3] =	stream.linear.gather [hbm4b:s6+s2], $0xD00, $0x38;
	[tilespmem:$0x1BA00] =	vst v63  }
0x15: {  	_ =	swait.ge [sflag:s10], $0xD00  }
0x16: {  	s31 =	simm.s32 $0x200;
	[sflag:s10] =	ssyncset.done $0x0  }
0x17: {  	s1 =	simm.s32 $0x0;
	s0 =	simm.s32 $0xDD00;
	[sflag:s10] =	ssyncadd.s32 $0xFFFFF300  }
.LBB2_2:
0x18: {  	[tilespmem:s0], [sflag:$0x1] =	stream.indirect.gather [hbm4b:s3+s12], $0x1, s1, s12, $0xb8;
	[tilespmem:$0x1BA00] =	vst v63  }
0x19: {  	s0 =	smov.u32 s31;
	p0 =	sne.s32 s31, $0x33E00  }
.Ltmp0:
0x1a: {  	s31 =	sadd.s32 $0x200, s31;
	(pc) =	sbr.rel @p0 .LBB2_2-.Ltmp0, $3  }
0x1b: {  	_ =	sdelay $0x1  }
0x1c: {  	s1 =	sshra.s32 s0, $0x2  }
0x1d: {  	s0 =	sadd.s32 $0xDD00, s1  }
0x1e: {  	[tilespmem:s0], [sflag:$0x1] =	stream.indirect.gather [hbm4b:s3+s12], $0x1, s1, s12, $0xb8;
	[tilespmem:$0x1BA00] =	vst v63  }
0x1f: {  	_ = 	snop  }
0x20: {  	[tilespmem:s13], [sflag:$0x2] =	stream.indirect.gather [hbm4b:s4+s12], $0x1, s11, s12, $0xb8;
	[tilespmem:$0x1BA00] =	vst v63  }
0x21: {  	s0 =	simm.s32 $0xD080;
	s1 =	simm.s32 $0x1AD80  }
0x22: {  	[tilespmem:s1], [sflag:$0x2] =	stream.indirect.gather [hbm4b:s4+s12], $0x1, s0, s12, $0xb8;
	[tilespmem:$0x1BA00] =	vst v63  }
0x23: {  	s0 =	simm.s32 $0xD100;
	s1 =	simm.s32 $0x1AE00  }
0x24: {  	[tilespmem:s1], [sflag:$0x2] =	stream.indirect.gather [hbm4b:s4+s12], $0x1, s0, s12, $0xb8;
	[tilespmem:$0x1BA00] =	vst v63  }
0x25: {  	s0 =	simm.s32 $0xD180;
	s1 =	simm.s32 $0x1AE80  }
0x26: {  	[tilespmem:s1], [sflag:$0x2] =	stream.indirect.gather [hbm4b:s4+s12], $0x1, s0, s12, $0xb8;
	[tilespmem:$0x1BA00] =	vst v63  }
0x27: {  	s0 =	simm.s32 $0xD200;
	s1 =	simm.s32 $0x1AF00  }
0x28: {  	[tilespmem:s1], [sflag:$0x2] =	stream.indirect.gather [hbm4b:s4+s12], $0x1, s0, s12, $0xb8;
	[tilespmem:$0x1BA00] =	vst v63  }
0x29: {  	s0 =	simm.s32 $0xD280;
	s1 =	simm.s32 $0x1AF80  }
0x2a: {  	[tilespmem:s1], [sflag:$0x2] =	stream.indirect.gather [hbm4b:s4+s12], $0x1, s0, s12, $0xb8;
	[tilespmem:$0x1BA00] =	vst v63  }
0x2b: {  	s0 =	simm.s32 $0xD300;
	s1 =	simm.s32 $0x1B000  }
0x2c: {  	[tilespmem:s1], [sflag:$0x2] =	stream.indirect.gather [hbm4b:s4+s12], $0x1, s0, s12, $0xb8;
	[tilespmem:$0x1BA00] =	vst v63  }
0x2d: {  	s0 =	simm.s32 $0xD380;
	s1 =	simm.s32 $0x1B080  }
0x2e: {  	[tilespmem:s1], [sflag:$0x2] =	stream.indirect.gather [hbm4b:s4+s12], $0x1, s0, s12, $0xb8;
	[tilespmem:$0x1BA00] =	vst v63  }
0x2f: {  	s0 =	simm.s32 $0xD400;
	s1 =	simm.s32 $0x1B100  }
0x30: {  	[tilespmem:s1], [sflag:$0x2] =	stream.indirect.gather [hbm4b:s4+s12], $0x1, s0, s12, $0xb8;
	[tilespmem:$0x1BA00] =	vst v63  }
0x31: {  	s0 =	simm.s32 $0xD480;
	s1 =	simm.s32 $0x1B180  }
0x32: {  	[tilespmem:s1], [sflag:$0x2] =	stream.indirect.gather [hbm4b:s4+s12], $0x1, s0, s12, $0xb8;
	[tilespmem:$0x1BA00] =	vst v63  }
0x33: {  	s0 =	simm.s32 $0xD500;
	s1 =	simm.s32 $0x1B200  }
0x34: {  	[tilespmem:s1], [sflag:$0x2] =	stream.indirect.gather [hbm4b:s4+s12], $0x1, s0, s12, $0xb8;
	[tilespmem:$0x1BA00] =	vst v63  }
0x35: {  	s0 =	simm.s32 $0xD580;
	s1 =	simm.s32 $0x1B280  }
0x36: {  	[tilespmem:s1], [sflag:$0x2] =	stream.indirect.gather [hbm4b:s4+s12], $0x1, s0, s12, $0xb8;
	[tilespmem:$0x1BA00] =	vst v63  }
0x37: {  	s0 =	simm.s32 $0xD600;
	s1 =	simm.s32 $0x1B300  }
0x38: {  	[tilespmem:s1], [sflag:$0x2] =	stream.indirect.gather [hbm4b:s4+s12], $0x1, s0, s12, $0xb8;
	[tilespmem:$0x1BA00] =	vst v63  }
0x39: {  	s0 =	simm.s32 $0xD680;
	s1 =	simm.s32 $0x1B380  }
0x3a: {  	[tilespmem:s1], [sflag:$0x2] =	stream.indirect.gather [hbm4b:s4+s12], $0x1, s0, s12, $0xb8;
	[tilespmem:$0x1BA00] =	vst v63  }
0x3b: {  	s0 =	simm.s32 $0xD700;
	s1 =	simm.s32 $0x1B400  }
0x3c: {  	[tilespmem:s1], [sflag:$0x2] =	stream.indirect.gather [hbm4b:s4+s12], $0x1, s0, s12, $0xb8;
	[tilespmem:$0x1BA00] =	vst v63  }
0x3d: {  	s0 =	simm.s32 $0xD780;
	s1 =	simm.s32 $0x1B480  }
0x3e: {  	[tilespmem:s1], [sflag:$0x2] =	stream.indirect.gather [hbm4b:s4+s12], $0x1, s0, s12, $0xb8;
	[tilespmem:$0x1BA00] =	vst v63  }
0x3f: {  	s0 =	simm.s32 $0xD800;
	s1 =	simm.s32 $0x1B500  }
0x40: {  	[tilespmem:s1], [sflag:$0x2] =	stream.indirect.gather [hbm4b:s4+s12], $0x1, s0, s12, $0xb8;
	[tilespmem:$0x1BA00] =	vst v63  }
0x41: {  	s0 =	simm.s32 $0xD880;
	s1 =	simm.s32 $0x1B580  }
0x42: {  	[tilespmem:s1], [sflag:$0x2] =	stream.indirect.gather [hbm4b:s4+s12], $0x1, s0, s12, $0xb8;
	[tilespmem:$0x1BA00] =	vst v63  }
0x43: {  	s0 =	simm.s32 $0xD900;
	s1 =	simm.s32 $0x1B600  }
0x44: {  	[tilespmem:s1], [sflag:$0x2] =	stream.indirect.gather [hbm4b:s4+s12], $0x1, s0, s12, $0xb8;
	[tilespmem:$0x1BA00] =	vst v63  }
0x45: {  	s0 =	simm.s32 $0xD980;
	s1 =	simm.s32 $0x1B680  }
0x46: {  	[tilespmem:s1], [sflag:$0x2] =	stream.indirect.gather [hbm4b:s4+s12], $0x1, s0, s12, $0xb8;
	[tilespmem:$0x1BA00] =	vst v63  }
0x47: {  	_ = 	snop  }
0x48: {  	[tilespmem:s15], [sflag:$0x2] =	stream.indirect.gather [hbm4b:s4+s12], $0x1, s14, s12, $0xb8;
	[tilespmem:$0x1BA00] =	vst v63  }
0x49: {  	_ = 	snop  }
0x4a: {  	[tilespmem:s17], [sflag:$0x2] =	stream.indirect.gather [hbm4b:s4+s12], $0x1, s16, s12, $0xb8;
	[tilespmem:$0x1BA00] =	vst v63  }
0x4b: {  	_ = 	snop  }
0x4c: {  	[tilespmem:s19], [sflag:$0x2] =	stream.indirect.gather [hbm4b:s4+s12], $0x1, s18, s12, $0xb8;
	[tilespmem:$0x1BA00] =	vst v63  }
0x4d: {  	_ = 	snop  }
0x4e: {  	[tilespmem:s21], [sflag:$0x2] =	stream.indirect.gather [hbm4b:s4+s12], $0x1, s20, s12, $0xb8;
	[tilespmem:$0x1BA00] =	vst v63  }
0x4f: {  	_ = 	snop  }
0x50: {  	[tilespmem:s23], [sflag:$0x2] =	stream.indirect.gather [hbm4b:s4+s12], $0x1, s22, s12, $0xb8;
	[tilespmem:$0x1BA00] =	vst v63  }
0x51: {  	_ = 	snop  }
0x52: {  	[tilespmem:s25], [sflag:$0x2] =	stream.indirect.gather [hbm4b:s4+s12], $0x1, s24, s12, $0xb8;
	[tilespmem:$0x1BA00] =	vst v63  }
0x53: {  	_ =	swait.ge [sflag:s26], $0x80  }
0x54: {  	s31 =	simm.s32 $0x19F;
	[sflag:s26] =	ssyncset.done $0x0  }
.LBB2_4:
0x55: {  	p0 =	sne.s32 s31, $0x1;
	s31 =	sadd.s32 $0xFFFFFFFF, s31;
	[sflag:s26] =	ssyncadd.s32 $0xFFFFFF80  }
.Ltmp1:
0x56: {  	(pc) =	sbr.rel @p0 .LBB2_4-.Ltmp1, $3  }
0x57: {  	_ =	sdelay $0x1  }
0x58: {  	_ =	swait.ge [sflag:s26], $0x80  }
0x59: {  	[sflag:s26] =	ssyncset.done $0x0  }
0x5a: {  	[sflag:s26] =	ssyncadd.s32 $0xFFFFFF80  }
0x5b: {  	_ =	swait.ge [sflag:s28], $0x80  }
0x5c: {  	[sflag:s28] =	ssyncset.done $0x0  }
0x5d: {  	[sflag:s28] =	ssyncadd.s32 $0xFFFFFF80  }
0x5e: {  	_ =	swait.ge [sflag:s28], $0x80  }
0x5f: {  	[sflag:s28] =	ssyncset.done $0x0  }
0x60: {  	[sflag:s28] =	ssyncadd.s32 $0xFFFFFF80  }
0x61: {  	_ =	swait.ge [sflag:s28], $0x80  }
0x62: {  	[sflag:s28] =	ssyncset.done $0x0  }
0x63: {  	[sflag:s28] =	ssyncadd.s32 $0xFFFFFF80  }
0x64: {  	_ =	swait.ge [sflag:s28], $0x80  }
0x65: {  	[sflag:s28] =	ssyncset.done $0x0  }
0x66: {  	[sflag:s28] =	ssyncadd.s32 $0xFFFFFF80  }
0x67: {  	_ =	swait.ge [sflag:s28], $0x80  }
0x68: {  	[sflag:s28] =	ssyncset.done $0x0  }
0x69: {  	[sflag:s28] =	ssyncadd.s32 $0xFFFFFF80  }
0x6a: {  	_ =	swait.ge [sflag:s28], $0x80  }
0x6b: {  	[sflag:s28] =	ssyncset.done $0x0  }
0x6c: {  	[sflag:s28] =	ssyncadd.s32 $0xFFFFFF80  }
0x6d: {  	_ =	swait.ge [sflag:s28], $0x80  }
0x6e: {  	[sflag:s28] =	ssyncset.done $0x0  }
0x6f: {  	[sflag:s28] =	ssyncadd.s32 $0xFFFFFF80  }
0x70: {  	_ =	swait.ge [sflag:s28], $0x80  }
0x71: {  	[sflag:s28] =	ssyncset.done $0x0  }
0x72: {  	[sflag:s28] =	ssyncadd.s32 $0xFFFFFF80  }
0x73: {  	_ =	swait.ge [sflag:s28], $0x80  }
0x74: {  	[sflag:s28] =	ssyncset.done $0x0  }
0x75: {  	[sflag:s28] =	ssyncadd.s32 $0xFFFFFF80  }
0x76: {  	_ =	swait.ge [sflag:s28], $0x80  }
0x77: {  	[sflag:s28] =	ssyncset.done $0x0  }
0x78: {  	[sflag:s28] =	ssyncadd.s32 $0xFFFFFF80  }
0x79: {  	_ =	swait.ge [sflag:s28], $0x80  }
0x7a: {  	[sflag:s28] =	ssyncset.done $0x0  }
0x7b: {  	[sflag:s28] =	ssyncadd.s32 $0xFFFFFF80  }
0x7c: {  	_ =	swait.ge [sflag:s28], $0x80  }
0x7d: {  	[sflag:s28] =	ssyncset.done $0x0  }
0x7e: {  	[sflag:s28] =	ssyncadd.s32 $0xFFFFFF80  }
0x7f: {  	_ =	swait.ge [sflag:s28], $0x80  }
0x80: {  	[sflag:s28] =	ssyncset.done $0x0  }
0x81: {  	[sflag:s28] =	ssyncadd.s32 $0xFFFFFF80  }
0x82: {  	_ =	swait.ge [sflag:s28], $0x80  }
0x83: {  	[sflag:s28] =	ssyncset.done $0x0  }
0x84: {  	[sflag:s28] =	ssyncadd.s32 $0xFFFFFF80  }
0x85: {  	_ =	swait.ge [sflag:s28], $0x80  }
0x86: {  	[sflag:s28] =	ssyncset.done $0x0  }
0x87: {  	[sflag:s28] =	ssyncadd.s32 $0xFFFFFF80  }
0x88: {  	_ =	swait.ge [sflag:s28], $0x80  }
0x89: {  	[sflag:s28] =	ssyncset.done $0x0  }
0x8a: {  	[sflag:s28] =	ssyncadd.s32 $0xFFFFFF80  }
0x8b: {  	_ =	swait.ge [sflag:s28], $0x80  }
0x8c: {  	[sflag:s28] =	ssyncset.done $0x0  }
0x8d: {  	[sflag:s28] =	ssyncadd.s32 $0xFFFFFF80  }
0x8e: {  	_ =	swait.ge [sflag:s28], $0x80  }
0x8f: {  	[sflag:s28] =	ssyncset.done $0x0  }
0x90: {  	[sflag:s28] =	ssyncadd.s32 $0xFFFFFF80  }
0x91: {  	_ =	swait.ge [sflag:s28], $0x80  }
0x92: {  	[sflag:s28] =	ssyncset.done $0x0  }
0x93: {  	[sflag:s28] =	ssyncadd.s32 $0xFFFFFF80  }
0x94: {  	_ =	swait.ge [sflag:s28], $0x80  }
0x95: {  	[sflag:s28] =	ssyncset.done $0x0  }
0x96: {  	[sflag:s28] =	ssyncadd.s32 $0xFFFFFF80  }
0x97: {  	_ =	swait.ge [sflag:s28], $0x80  }
0x98: {  	[sflag:s28] =	ssyncset.done $0x0  }
0x99: {  	[sflag:s28] =	ssyncadd.s32 $0xFFFFFF80  }
0x9a: {  	_ =	swait.ge [sflag:s28], $0x80  }
0x9b: {  	[sflag:s28] =	ssyncset.done $0x0  }
0x9c: {  	[sflag:s28] =	ssyncadd.s32 $0xFFFFFF80  }
0x9d: {  	_ =	swait.ge [sflag:s28], $0x80  }
0x9e: {  	[sflag:s28] =	ssyncset.done $0x0  }
0x9f: {  	[sflag:s28] =	ssyncadd.s32 $0xFFFFFF80  }
0xa0: {  	_ =	swait.ge [sflag:s28], $0x80  }
0xa1: {  	[sflag:s28] =	ssyncset.done $0x0  }
0xa2: {  	[sflag:s28] =	ssyncadd.s32 $0xFFFFFF80  }
0xa3: {  	_ =	swait.ge [sflag:s28], $0x80  }
0xa4: {  	[sflag:s28] =	ssyncset.done $0x0  }
0xa5: {  	[sflag:s28] =	ssyncadd.s32 $0xFFFFFF80  }
0xa6: {  	_ =	swait.ge [sflag:s28], $0x80  }
0xa7: {  	[sflag:s28] =	ssyncset.done $0x0  }
0xa8: {  	[sflag:s28] =	ssyncadd.s32 $0xFFFFFF80  }
0xa9: {  	[hbm4b:s7+s2] =	stream.linear.scatter [tilespmem:s29], [sflag:$0x3], $0xD000, $0x38;
	[tilespmem:$0x1BA00] =	vst v63  }
0xaa: {  	s30 =	sadd.s32 $0x1, s30;
	_ =	swait.ge [sflag:s10], $0xD000  }
0xab: {  	p0 =	sne.s32 s30, s9;
	[sflag:s10] =	ssyncset.done $0x0  }
.Ltmp2:
0xac: {  	[sflag:s10] =	ssyncadd.s32 $0xFFFF3000;
	(pc) =	sbr.rel @p0 .LBB2_1-.Ltmp2, $4  }
0xad: {  	[hbm4b:s8+s2] =	stream.linear.scatter [tilespmem:s13], [sflag:$0x3], $0xD00, $0x38;
	[tilespmem:$0x1BA00] =	vst v63  }
0xae: {  	_ =	swait.ge [sflag:s10], $0xD00  }
0xaf: {  	[sflag:s10] =	ssyncset.done $0x0  }
0xb0: {  	[sflag:s10] =	ssyncadd.s32 $0xFFFFF300  }
0xb1: {  	_ =	sfence.sel $0x180000  }
0xb2: {  	[bflag:$0x0] =	sbarrier.arrive $0xFFFF  }
0xb3: {  	_ =	strace $0x90000047  }
0xb4: {  	s0 =	stileid.u32;
	[bflag:$0x2] =	sbarrier.arrive $0xFFFF  }
0xb5: {  	p0 =	sne.s32 s0, $0x0;
	s0 =	rddreg [dreg:$0x1]  }
0xb6: {  	s0 =	sadd.s32 @!p0 $0x100000, s0  }
0xb7: {  	[sflag:s0] =	ssyncadd.tile.s32 @!p0 $0x1;
	_ =	shalt  }
.Lfunc_end2:
_tile_overlayer_lowered:
.L_overlay_start_2:
0xb8: {  	(tag) =	ssettag $0x2  }
0xb9: {  	s0 =	rddreg [dreg:$0x0];
	s2 =	stileid.u32  }
0xba: {  	s1 =	rddreg [dreg:$0x1];
	p0 =	sne.s32 s2, $0x0  }
0xbb: {  	s3 =	rddreg [dreg:$0x2];
	[bflag:$0x3] =	sbarrier.arrive $0xFFFF;
	s2 =	simm.s32 @!p0 $0x1C03  }
0xbc: {  	[timem:s3], [sflag:s2] =	dma.local @!p0 [hbm:s0], s1  }
0xbd: {  	s0 =	simm.s32 @!p0 $0x3  }
0xbe: {  	_ =	swait.ge @!p0 [sflag:s0], s1  }
0xbf: {  	s1 =	ssub.s32 @!p0 $0x0, s1;
	[sflag:s0] =	ssyncset.done @!p0 $0x0  }
0xc0: {  	[sflag:s0] =	ssyncadd.s32 @!p0 s1  }
0xc1: {  	[bflag:$0x3] =	sbarrier.arrive $0xFFFF  }
0xc2: {  	_ =	shalt  }

</sc_bundles>
